<compile_context>
chip_gen: v7x
topology: tpu7x:2x2x1
jax: 0.10.2.dev20260603
libtpu: 0.0.44.dev20260713+nightly
codegen_flags: <defaults>
</compile_context>

<pallas_src>
import jax
import jax.numpy as jnp
from jax import lax
from jax.experimental import pallas as pl
from jax.experimental.pallas import tpu as pltpu

_NAPL = (49152, 12288, 3072, 768, 192)
_PRE_NMS_TOP_N = 1000
_POST_NMS_TOP_N = 1000
_NMS_THRESH = 0.7
_SCORE_THRESH = 0.0
_MIN_SIZE = 0.001
_IMG_H = 512.0
_IMG_W = 512.0
_P = 1024


def _nms_kernel(sc_ref, x1_ref, y1_ref, x2_ref, y2_ref,
                ks_ref, ox1_ref, oy1_ref, ox2_ref, oy2_ref, iou_ref):
    logit = sc_ref[0, 0, 0, :]
    x1 = jnp.clip(x1_ref[0, 0, 0, :], 0.0, _IMG_W)
    y1 = jnp.clip(y1_ref[0, 0, 0, :], 0.0, _IMG_H)
    x2 = jnp.clip(x2_ref[0, 0, 0, :], 0.0, _IMG_W)
    y2 = jnp.clip(y2_ref[0, 0, 0, :], 0.0, _IMG_H)
    sig = jax.nn.sigmoid(logit)
    ws = x2 - x1
    hs = y2 - y1
    valid = (ws >= _MIN_SIZE) & (hs >= _MIN_SIZE) & (sig >= _SCORE_THRESH)
    zero = jnp.zeros_like(x1)
    x1 = jnp.where(valid, x1, zero)
    y1 = jnp.where(valid, y1, zero)
    x2 = jnp.where(valid, x2, zero)
    y2 = jnp.where(valid, y2, zero)
    area = (x2 - x1) * (y2 - y1)
    xx1 = jnp.maximum(x1[:, None], x1[None, :])
    yy1 = jnp.maximum(y1[:, None], y1[None, :])
    xx2 = jnp.minimum(x2[:, None], x2[None, :])
    yy2 = jnp.minimum(y2[:, None], y2[None, :])
    inter = jnp.clip(xx2 - xx1, 0.0) * jnp.clip(yy2 - yy1, 0.0)
    union = area[:, None] + area[None, :] - inter
    iou_ref[:, :] = jnp.where(
        union > 0.0, inter / jnp.where(union > 0.0, union, 1.0), 0.0)

    idx = lax.broadcasted_iota(jnp.int32, (1, _P), 1)

    def body(i, supp):
        row = iou_ref[pl.ds(i, 1), :]
        sup_i = jnp.max(jnp.where(idx == i, supp, 0.0))
        alive = 1.0 - sup_i
        cand = jnp.where((row > _NMS_THRESH) & (idx > i), alive, 0.0)
        return jnp.maximum(supp, cand)

    lvl = pl.program_id(1)
    trip = jnp.where(lvl == 3, 768, jnp.where(lvl == 4, 192, 1000))

    def body4(i4, supp):
        i = 4 * i4
        supp = body(i, supp)
        supp = body(i + 1, supp)
        supp = body(i + 2, supp)
        return body(i + 3, supp)

    supp0 = jnp.zeros((1, _P), dtype=jnp.float32)
    supp = lax.fori_loop(0, trip // 4, body4, supp0)
    keep = valid & (supp[0] == 0.0)
    ks_ref[0, 0, 0, :] = jnp.where(keep, sig, -jnp.inf)
    ox1_ref[0, 0, 0, :] = x1
    oy1_ref[0, 0, 0, :] = y1
    ox2_ref[0, 0, 0, :] = x2
    oy2_ref[0, 0, 0, :] = y2


def _run_nms(scores_p, x1, y1, x2, y2):
    ni, nl, _ = scores_p.shape
    r = lambda a: a.reshape(ni, nl, 1, _P)
    spec = pl.BlockSpec((1, 1, 1, _P), lambda i, l: (i, l, 0, 0))
    shp = jax.ShapeDtypeStruct((ni, nl, 1, _P), jnp.float32)
    outs = pl.pallas_call(
        _nms_kernel,
        grid=(ni, nl),
        in_specs=[spec] * 5,
        out_specs=[spec] * 5,
        out_shape=[shp] * 5,
        scratch_shapes=[pltpu.VMEM((_P, _P), jnp.float32)],
    )(r(scores_p), r(x1), r(y1), r(x2), r(y2))
    return [o.reshape(ni, nl, _P) for o in outs]


def kernel(proposals, objectness, num_anchors_per_level):
    ni = objectness.shape[0]
    obj = objectness.reshape(ni, -1).astype(jnp.float32)
    props = proposals.astype(jnp.float32)
    off = 0
    sc, bx = [], []
    for n in _NAPL:
        k = min(_PRE_NMS_TOP_N, n)
        v, idx = lax.top_k(obj[:, off:off + n], k)
        b = jnp.take_along_axis(props[:, off:off + n, :], idx[:, :, None],
                                axis=1)
        pad = _P - k
        v = jnp.pad(v, ((0, 0), (0, pad)), constant_values=-jnp.inf)
        b = jnp.pad(b, ((0, 0), (0, pad), (0, 0)))
        sc.append(v)
        bx.append(b)
        off += n
    scores_p = jnp.stack(sc, 1)
    boxes_p = jnp.stack(bx, 1)
    ks, ox1, oy1, ox2, oy2 = _run_nms(
        scores_p, boxes_p[..., 0], boxes_p[..., 1],
        boxes_p[..., 2], boxes_p[..., 3])
    flat_ks = ks.reshape(ni, -1)
    topv, topi = lax.top_k(flat_ks, _POST_NMS_TOP_N)
    fb = jnp.stack([ox1, oy1, ox2, oy2], -1).reshape(ni, -1, 4)
    selb = jnp.take_along_axis(fb, topi[:, :, None], axis=1)
    finv = topv > -jnp.inf
    boxes_out = jnp.where(finv[:, :, None], selb, 0.0)
    scores_out = jnp.where(finv, topv, 0.0)
    return boxes_out, scores_out

# --- scband reference (transcript-rebuilt; emitter-appended) ---
"""Pipeline reference for scband-filter-proposals-22703197127181 (READ-ONLY COPY).

The authoritative reference and input builder live on the scoring server;
editing this copy changes nothing except your own understanding.
"""

import jax, jax.numpy as jnp
import numpy as np
from jax import lax

NAPL = (49152, 12288, 3072, 768, 192)
NUM_IMAGES = 4
PRE_NMS_TOP_N = 1000
POST_NMS_TOP_N = 1000
NMS_THRESH = 0.7
SCORE_THRESH = 0.0
MIN_SIZE = 0.001
IMG_SHAPE = (512, 512)


def setup_inputs(seed: int = 0):
    key = jax.random.key(seed)
    k1, k2 = jax.random.split(key)
    A = int(sum(NAPL))
    proposals = jax.random.uniform(k1, (NUM_IMAGES, A, 4), dtype=jnp.float32)
    objectness = jax.random.normal(k2, (NUM_IMAGES, A), dtype=jnp.float32)
    num_anchors_per_level = np.asarray(NAPL, dtype=np.int64)
    return {"proposals": proposals, "objectness": objectness, "num_anchors_per_level": num_anchors_per_level}


def _clip_boxes_to_image(boxes, img_shape):
    h, w = img_shape
    x1 = jnp.clip(boxes[:, 0], 0.0, float(w))
    y1 = jnp.clip(boxes[:, 1], 0.0, float(h))
    x2 = jnp.clip(boxes[:, 2], 0.0, float(w))
    y2 = jnp.clip(boxes[:, 3], 0.0, float(h))
    return jnp.stack([x1, y1, x2, y2], axis=1)


def _nms(boxes, scores, thresh):
    # greedy NMS; returns (descending-score order, keep-mask in that order)
    boxes = lax.stop_gradient(boxes)
    scores = lax.stop_gradient(scores)
    n = boxes.shape[0]
    order = jnp.argsort(-scores)
    b = boxes[order]
    xx1 = jnp.maximum(b[:, None, 0], b[None, :, 0])
    yy1 = jnp.maximum(b[:, None, 1], b[None, :, 1])
    xx2 = jnp.minimum(b[:, None, 2], b[None, :, 2])
    yy2 = jnp.minimum(b[:, None, 3], b[None, :, 3])
    inter = jnp.clip(xx2 - xx1, 0.0) * jnp.clip(yy2 - yy1, 0.0)
    area = (b[:, 2] - b[:, 0]) * (b[:, 3] - b[:, 1])
    union = area[:, None] + area[None, :] - inter
    iou = jnp.where(union > 0.0, inter / jnp.where(union > 0.0, union, 1.0), 0.0)
    idx = jnp.arange(n)
    def body(i, supp):
        cand = (iou[i] > thresh) & (idx > i) & jnp.logical_not(supp)
        return jnp.where(supp[i], supp, supp | cand)
    supp = lax.fori_loop(0, n, body, jnp.zeros((n,), dtype=bool))
    return order, jnp.logical_not(supp)


def _forward(proposals, objectness):
    napl = [int(v) for v in NAPL]
    num_images = objectness.shape[0]
    A = int(sum(napl))
    objectness = objectness.reshape(num_images, -1)
    # levels tensor
    lv = jnp.concatenate([jnp.full((n,), i, dtype=jnp.int64) for i, n in enumerate(napl)])
    levels = jnp.broadcast_to(lv[None, :], (num_images, A))
    # stage 1: per-level, per-image pre-NMS top-k on objectness
    top_list = []
    off = 0
    for n in napl:
        k = min(PRE_NMS_TOP_N, n)
        _, top = lax.top_k(objectness[:, off:off + n], k)
        top_list.append(top + off)
        off += n
    top_n_idx = jnp.concatenate(top_list, axis=1)
    batch_idx = jnp.arange(num_images)[:, None]
    objectness_f = objectness[batch_idx, top_n_idx]
    levels_f = levels[batch_idx, top_n_idx]
    proposals_f = proposals[batch_idx, top_n_idx]
    probs = jax.nn.sigmoid(objectness_f)
    all_boxes = []
    all_scores = []
    for i in range(num_images):
        boxes = _clip_boxes_to_image(proposals_f[i], IMG_SHAPE)
        scores = probs[i]
        lvl = levels_f[i]
        # stage 2+3: remove small boxes and low scores (masking instead of compaction)
        ws = boxes[:, 2] - boxes[:, 0]
        hs = boxes[:, 3] - boxes[:, 1]
        valid = (ws >= MIN_SIZE) & (hs >= MIN_SIZE) & (scores >= SCORE_THRESH)
        scores_m = jnp.where(valid, scores, -jnp.inf)
        boxes_m = jnp.where(valid[:, None], boxes, 0.0)
        # stage 4: batched (per-level) NMS via coordinate offset trick
        max_coord = jnp.max(lax.stop_gradient(boxes_m))
        offsets = lvl.astype(boxes_m.dtype) * (max_coord + 1.0)
        boxes_off = boxes_m + offsets[:, None]
        order, keep_sorted = _nms(boxes_off, scores_m, NMS_THRESH)
        # stage 5: keep top post_nms_top_n per image (padded to fixed size)
        kept_scores_sorted = jnp.where(keep_sorted, scores_m[order], -jnp.inf)
        topv, topi = lax.top_k(kept_scores_sorted, POST_NMS_TOP_N)
        sel = order[topi]
        fin_valid = topv > -jnp.inf
        all_boxes.append(jnp.where(fin_valid[:, None], boxes_m[sel], 0.0))
        all_scores.append(jnp.where(fin_valid, scores[sel], 0.0))
    return jnp.stack(all_boxes, axis=0), jnp.stack(all_scores, axis=0)


def reference(proposals, objectness, num_anchors_per_level=None):
    # num_anchors_per_level is structural metadata; the constant NAPL is used
    # (identical values are returned by setup_inputs).
    return _forward(proposals, objectness)

if __name__ == "__main__":
    import jax
    _d = setup_inputs()
    print(jax.jit(kernel)(*tuple(_d.values())))

</pallas_src>

<mosaic_0001>
module attributes {stable_mosaic.version = 14 : i64} {
  func.func @_nms_kernel(%arg0: i32, %arg1: i32, %arg2: memref<1x1x1x1024xf32, #tpu.memory_space<vmem>>, %arg3: memref<1x1x1x1024xf32, #tpu.memory_space<vmem>>, %arg4: memref<1x1x1x1024xf32, #tpu.memory_space<vmem>>, %arg5: memref<1x1x1x1024xf32, #tpu.memory_space<vmem>>, %arg6: memref<1x1x1x1024xf32, #tpu.memory_space<vmem>>, %arg7: memref<1x1x1x1024xf32, #tpu.memory_space<vmem>>, %arg8: memref<1x1x1x1024xf32, #tpu.memory_space<vmem>>, %arg9: memref<1x1x1x1024xf32, #tpu.memory_space<vmem>>, %arg10: memref<1x1x1x1024xf32, #tpu.memory_space<vmem>>, %arg11: memref<1x1x1x1024xf32, #tpu.memory_space<vmem>>, %arg12: memref<1024x1024xf32, #tpu.memory_space<vmem>>) attributes {dimension_semantics = [#tpu.dimension_semantics<arbitrary>, #tpu.dimension_semantics<arbitrary>], iteration_bounds = array<i64: 4, 5>, scalar_prefetch = 0 : i64, scratch_operands = 1 : i64, tpu.core_type = #tpu.core_type<tc>, window_params = [{transform_indices = @transform_0, window_bounds = array<i64: 1, 1, 1, 1024>}, {transform_indices = @transform_1, window_bounds = array<i64: 1, 1, 1, 1024>}, {transform_indices = @transform_2, window_bounds = array<i64: 1, 1, 1, 1024>}, {transform_indices = @transform_3, window_bounds = array<i64: 1, 1, 1, 1024>}, {transform_indices = @transform_4, window_bounds = array<i64: 1, 1, 1, 1024>}, {transform_indices = @transform_5, window_bounds = array<i64: 1, 1, 1, 1024>}, {transform_indices = @transform_6, window_bounds = array<i64: 1, 1, 1, 1024>}, {transform_indices = @transform_7, window_bounds = array<i64: 1, 1, 1, 1024>}, {transform_indices = @transform_8, window_bounds = array<i64: 1, 1, 1, 1024>}, {transform_indices = @transform_9, window_bounds = array<i64: 1, 1, 1, 1024>}]} {
    %get3A = arith.constant 0 : index
    %get3A_0 = arith.constant 0 : index
    %get3A_1 = arith.constant 0 : index
    %get3A_2 = arith.constant 0 : index
    %get3A_3 = vector.load %arg2[%get3A, %get3A_0, %get3A_1, %get3A_2] : memref<1x1x1x1024xf32, #tpu.memory_space<vmem>>, vector<1x1x1x1024xf32>
    %get3A_4 = vector.shape_cast %get3A_3 : vector<1x1x1x1024xf32> to vector<1024xf32>
    %get3A_5 = arith.constant 0 : index
    %get3A_6 = arith.constant 0 : index
    %get3A_7 = arith.constant 0 : index
    %get3A_8 = arith.constant 0 : index
    %get3A_9 = vector.load %arg3[%get3A_5, %get3A_6, %get3A_7, %get3A_8] : memref<1x1x1x1024xf32, #tpu.memory_space<vmem>>, vector<1x1x1x1024xf32>
    %get3A_10 = vector.shape_cast %get3A_9 : vector<1x1x1x1024xf32> to vector<1024xf32>
    %jit3A = arith.constant 0.000000e+00 : f32
    %jit3A_11 = arith.constant 5.120000e+02 : f32
    %max3A = vector.broadcast %jit3A : f32 to vector<1024xf32>
    %max3A_12 = arith.maximumf %max3A, %get3A_10 : vector<1024xf32>
    %min3A = vector.broadcast %jit3A_11 : f32 to vector<1024xf32>
    %min3A_13 = arith.minimumf %min3A, %max3A_12 : vector<1024xf32>
    %get3A_14 = arith.constant 0 : index
    %get3A_15 = arith.constant 0 : index
    %get3A_16 = arith.constant 0 : index
    %get3A_17 = arith.constant 0 : index
    %get3A_18 = vector.load %arg4[%get3A_14, %get3A_15, %get3A_16, %get3A_17] : memref<1x1x1x1024xf32, #tpu.memory_space<vmem>>, vector<1x1x1x1024xf32>
    %get3A_19 = vector.shape_cast %get3A_18 : vector<1x1x1x1024xf32> to vector<1024xf32>
    %jit3A_20 = arith.constant 0.000000e+00 : f32
    %jit3A_21 = arith.constant 5.120000e+02 : f32
    %max3A_22 = vector.broadcast %jit3A_20 : f32 to vector<1024xf32>
    %max3A_23 = arith.maximumf %max3A_22, %get3A_19 : vector<1024xf32>
    %min3A_24 = vector.broadcast %jit3A_21 : f32 to vector<1024xf32>
    %min3A_25 = arith.minimumf %min3A_24, %max3A_23 : vector<1024xf32>
    %get3A_26 = arith.constant 0 : index
    %get3A_27 = arith.constant 0 : index
    %get3A_28 = arith.constant 0 : index
    %get3A_29 = arith.constant 0 : index
    %get3A_30 = vector.load %arg5[%get3A_26, %get3A_27, %get3A_28, %get3A_29] : memref<1x1x1x1024xf32, #tpu.memory_space<vmem>>, vector<1x1x1x1024xf32>
    %get3A_31 = vector.shape_cast %get3A_30 : vector<1x1x1x1024xf32> to vector<1024xf32>
    %jit3A_32 = arith.constant 0.000000e+00 : f32
    %jit3A_33 = arith.constant 5.120000e+02 : f32
    %max3A_34 = vector.broadcast %jit3A_32 : f32 to vector<1024xf32>
    %max3A_35 = arith.maximumf %max3A_34, %get3A_31 : vector<1024xf32>
    %min3A_36 = vector.broadcast %jit3A_33 : f32 to vector<1024xf32>
    %min3A_37 = arith.minimumf %min3A_36, %max3A_35 : vector<1024xf32>
    %get3A_38 = arith.constant 0 : index
    %get3A_39 = arith.constant 0 : index
    %get3A_40 = arith.constant 0 : index
    %get3A_41 = arith.constant 0 : index
    %get3A_42 = vector.load %arg6[%get3A_38, %get3A_39, %get3A_40, %get3A_41] : memref<1x1x1x1024xf32, #tpu.memory_space<vmem>>, vector<1x1x1x1024xf32>
    %get3A_43 = vector.shape_cast %get3A_42 : vector<1x1x1x1024xf32> to vector<1024xf32>
    %jit3A_44 = arith.constant 0.000000e+00 : f32
    %jit3A_45 = arith.constant 5.120000e+02 : f32
    %max3A_46 = vector.broadcast %jit3A_44 : f32 to vector<1024xf32>
    %max3A_47 = arith.maximumf %max3A_46, %get3A_43 : vector<1024xf32>
    %min3A_48 = vector.broadcast %jit3A_45 : f32 to vector<1024xf32>
    %min3A_49 = arith.minimumf %min3A_48, %max3A_47 : vector<1024xf32>
    %logistic3A = arith.negf %get3A_4 : vector<1024xf32>
    %logistic3A_50 = math.exp %logistic3A : vector<1024xf32>
    %logistic3A_51 = arith.constant 1.000000e+00 : f32
    %logistic3A_52 = vector.broadcast %logistic3A_51 : f32 to vector<1024xf32>
    %logistic3A_53 = arith.addf %logistic3A_52, %logistic3A_50 : vector<1024xf32>
    %logistic3A_54 = arith.divf %logistic3A_52, %logistic3A_53 : vector<1024xf32>
    %sub3A = arith.subf %min3A_37, %min3A_13 : vector<1024xf32>
    %sub3A_55 = arith.subf %min3A_49, %min3A_25 : vector<1024xf32>
    %ge3A = arith.constant 1.000000e-03 : f32
    %ge3A_56 = vector.broadcast %ge3A : f32 to vector<1024xf32>
    %ge3A_57 = arith.cmpf oge, %sub3A, %ge3A_56 : vector<1024xf32>
    %ge3A_58 = arith.constant 1.000000e-03 : f32
    %ge3A_59 = vector.broadcast %ge3A_58 : f32 to vector<1024xf32>
    %ge3A_60 = arith.cmpf oge, %sub3A_55, %ge3A_59 : vector<1024xf32>
    %and3A = arith.andi %ge3A_57, %ge3A_60 : vector<1024xi1>
    %ge3A_61 = arith.constant 0.000000e+00 : f32
    %ge3A_62 = vector.broadcast %ge3A_61 : f32 to vector<1024xf32>
    %ge3A_63 = arith.cmpf oge, %logistic3A_54, %ge3A_62 : vector<1024xf32>
    %and3A_64 = arith.andi %and3A, %ge3A_63 : vector<1024xi1>
    %broadcast_in_dim3A = arith.constant 0.000000e+00 : f32
    %broadcast_in_dim3A_65 = vector.broadcast %broadcast_in_dim3A : f32 to vector<1024xf32>
    %select_n3A = arith.select %and3A_64, %min3A_13, %broadcast_in_dim3A_65 : vector<1024xi1>, vector<1024xf32>
    %select_n3A_66 = arith.select %and3A_64, %min3A_25, %broadcast_in_dim3A_65 : vector<1024xi1>, vector<1024xf32>
    %select_n3A_67 = arith.select %and3A_64, %min3A_37, %broadcast_in_dim3A_65 : vector<1024xi1>, vector<1024xf32>
    %select_n3A_68 = arith.select %and3A_64, %min3A_49, %broadcast_in_dim3A_65 : vector<1024xi1>, vector<1024xf32>
    %sub3A_69 = arith.subf %select_n3A_67, %select_n3A : vector<1024xf32>
    %sub3A_70 = arith.subf %select_n3A_68, %select_n3A_66 : vector<1024xf32>
    %mul3A = arith.mulf %sub3A_69, %sub3A_70 : vector<1024xf32>
    %broadcast_in_dim3A_71 = vector.shape_cast %select_n3A : vector<1024xf32> to vector<1024x1xf32>
    %broadcast_in_dim3A_72 = vector.shape_cast %select_n3A : vector<1024xf32> to vector<1x1024xf32>
    %max3A_73 = vector.broadcast %broadcast_in_dim3A_71 : vector<1024x1xf32> to vector<1024x1024xf32>
    %max3A_74 = vector.broadcast %broadcast_in_dim3A_72 : vector<1x1024xf32> to vector<1024x1024xf32>
    %max3A_75 = arith.maximumf %max3A_73, %max3A_74 : vector<1024x1024xf32>
    %broadcast_in_dim3A_76 = vector.shape_cast %select_n3A_66 : vector<1024xf32> to vector<1024x1xf32>
    %broadcast_in_dim3A_77 = vector.shape_cast %select_n3A_66 : vector<1024xf32> to vector<1x1024xf32>
    %max3A_78 = vector.broadcast %broadcast_in_dim3A_76 : vector<1024x1xf32> to vector<1024x1024xf32>
    %max3A_79 = vector.broadcast %broadcast_in_dim3A_77 : vector<1x1024xf32> to vector<1024x1024xf32>
    %max3A_80 = arith.maximumf %max3A_78, %max3A_79 : vector<1024x1024xf32>
    %broadcast_in_dim3A_81 = vector.shape_cast %select_n3A_67 : vector<1024xf32> to vector<1024x1xf32>
    %broadcast_in_dim3A_82 = vector.shape_cast %select_n3A_67 : vector<1024xf32> to vector<1x1024xf32>
    %min3A_83 = vector.broadcast %broadcast_in_dim3A_81 : vector<1024x1xf32> to vector<1024x1024xf32>
    %min3A_84 = vector.broadcast %broadcast_in_dim3A_82 : vector<1x1024xf32> to vector<1024x1024xf32>
    %min3A_85 = arith.minimumf %min3A_83, %min3A_84 : vector<1024x1024xf32>
    %broadcast_in_dim3A_86 = vector.shape_cast %select_n3A_68 : vector<1024xf32> to vector<1024x1xf32>
    %broadcast_in_dim3A_87 = vector.shape_cast %select_n3A_68 : vector<1024xf32> to vector<1x1024xf32>
    %min3A_88 = vector.broadcast %broadcast_in_dim3A_86 : vector<1024x1xf32> to vector<1024x1024xf32>
    %min3A_89 = vector.broadcast %broadcast_in_dim3A_87 : vector<1x1024xf32> to vector<1024x1024xf32>
    %min3A_90 = arith.minimumf %min3A_88, %min3A_89 : vector<1024x1024xf32>
    %sub3A_91 = arith.subf %min3A_85, %max3A_75 : vector<1024x1024xf32>
    %jit3A_92 = arith.constant 0.000000e+00 : f32
    %max3A_93 = vector.broadcast %jit3A_92 : f32 to vector<1024x1024xf32>
    %max3A_94 = arith.maximumf %max3A_93, %sub3A_91 : vector<1024x1024xf32>
    %sub3A_95 = arith.subf %min3A_90, %max3A_80 : vector<1024x1024xf32>
    %jit3A_96 = arith.constant 0.000000e+00 : f32
    %max3A_97 = vector.broadcast %jit3A_96 : f32 to vector<1024x1024xf32>
    %max3A_98 = arith.maximumf %max3A_97, %sub3A_95 : vector<1024x1024xf32>
    %mul3A_99 = arith.mulf %max3A_94, %max3A_98 : vector<1024x1024xf32>
    %broadcast_in_dim3A_100 = vector.shape_cast %mul3A : vector<1024xf32> to vector<1024x1xf32>
    %broadcast_in_dim3A_101 = vector.shape_cast %mul3A : vector<1024xf32> to vector<1x1024xf32>
    %add3A = vector.broadcast %broadcast_in_dim3A_100 : vector<1024x1xf32> to vector<1024x1024xf32>
    %add3A_102 = vector.broadcast %broadcast_in_dim3A_101 : vector<1x1024xf32> to vector<1024x1024xf32>
    %add3A_103 = arith.addf %add3A, %add3A_102 : vector<1024x1024xf32>
    %sub3A_104 = arith.subf %add3A_103, %mul3A_99 : vector<1024x1024xf32>
    %gt3A = arith.constant 0.000000e+00 : f32
    %gt3A_105 = vector.broadcast %gt3A : f32 to vector<1024x1024xf32>
    %gt3A_106 = arith.cmpf ogt, %sub3A_104, %gt3A_105 : vector<1024x1024xf32>
    %gt3A_107 = arith.constant 0.000000e+00 : f32
    %gt3A_108 = vector.broadcast %gt3A_107 : f32 to vector<1024x1024xf32>
    %gt3A_109 = arith.cmpf ogt, %sub3A_104, %gt3A_108 : vector<1024x1024xf32>
    %jit3A_110 = arith.constant 1.000000e+00 : f32
    %broadcast_in_dim3A_111 = vector.broadcast %jit3A_110 : f32 to vector<1024x1024xf32>
    %select_n3A_112 = arith.select %gt3A_109, %sub3A_104, %broadcast_in_dim3A_111 : vector<1024x1024xi1>, vector<1024x1024xf32>
    %div3A = arith.divf %mul3A_99, %select_n3A_112 : vector<1024x1024xf32>
    %jit3A_113 = arith.constant 0.000000e+00 : f32
    %broadcast_in_dim3A_114 = vector.broadcast %jit3A_113 : f32 to vector<1024x1024xf32>
    %select_n3A_115 = arith.select %gt3A_106, %div3A, %broadcast_in_dim3A_114 : vector<1024x1024xi1>, vector<1024x1024xf32>
    %swap3A = arith.constant 0 : index
    %swap3A_116 = arith.constant 0 : index
    %swap3A_117 = vector.load %arg12[%swap3A, %swap3A_116] : memref<1024x1024xf32, #tpu.memory_space<vmem>>, vector<1024x1024xf32>
    tpu.vector_store %arg12[%swap3A, %swap3A_116], %select_n3A_115 {strides = array<i32>} : memref<1024x1024xf32, #tpu.memory_space<vmem>>, vector<1024x1024xf32>,
    %iota3A = tpu.iota {dimensions = array<i32: 1>} : vector<1x1024xi32>
    %eq3A = arith.constant 3 : i32
    %eq3A_118 = arith.cmpi eq, %arg1, %eq3A : i32
    %eq3A_119 = arith.constant 4 : i32
    %eq3A_120 = arith.cmpi eq, %arg1, %eq3A_119 : i32
    %jit3A_121 = arith.constant 192 : i32
    %jit3A_122 = arith.constant 1000 : i32
    %select_n3A_123 = arith.select %eq3A_120, %jit3A_121, %jit3A_122 : i32
    %jit3A_124 = arith.constant 768 : i32
    %select_n3A_125 = arith.select %eq3A_118, %jit3A_124, %select_n3A_123 : i32
    %broadcast_in_dim3A_126 = arith.constant 0.000000e+00 : f32
    %broadcast_in_dim3A_127 = vector.broadcast %broadcast_in_dim3A_126 : f32 to vector<1x1024xf32>
    %jit3A_128 = arith.constant 4 : i32
    %div3A_129 = arith.divsi %select_n3A_125, %jit3A_128 : i32
    %sign3A = arith.constant 0 : i32
    %sign3A_130 = arith.cmpi sgt, %select_n3A_125, %sign3A : i32
    %sign3A_131 = arith.extui %sign3A_130 : i1 to i32
    %sign3A_132 = arith.constant 0 : i32
    %sign3A_133 = arith.cmpi slt, %select_n3A_125, %sign3A_132 : i32
    %sign3A_134 = arith.extui %sign3A_133 : i1 to i32
    %sign3A_135 = arith.subi %sign3A_131, %sign3A_134 : i32
    %sign3A_136 = arith.constant 0 : i32
    %sign3A_137 = arith.cmpi sgt, %jit3A_128, %sign3A_136 : i32
    %sign3A_138 = arith.extui %sign3A_137 : i1 to i32
    %sign3A_139 = arith.constant 0 : i32
    %sign3A_140 = arith.cmpi slt, %jit3A_128, %sign3A_139 : i32
    %sign3A_141 = arith.extui %sign3A_140 : i1 to i32
    %sign3A_142 = arith.subi %sign3A_138, %sign3A_141 : i32
    %ne3A = arith.cmpi ne, %sign3A_135, %sign3A_142 : i32
    %rem3A = arith.remsi %select_n3A_125, %jit3A_128 : i32
    %ne3A_143 = arith.constant 0 : i32
    %ne3A_144 = arith.cmpi ne, %rem3A, %ne3A_143 : i32
    %and3A_145 = arith.andi %ne3A, %ne3A_144 : i1
    %sub3A_146 = arith.constant 1 : i32
    %sub3A_147 = arith.subi %div3A_129, %sub3A_146 : i32
    %select_n3A_148 = arith.select %and3A_145, %sub3A_147, %div3A_129 : i32
    %while3A = arith.constant 0 : i32
    %while3A_149 = arith.subi %select_n3A_148, %while3A : i32
    %while3A_150 = arith.addi %while3A, %while3A_149 : i32
    %while3A_151 = arith.constant 1 : i32
    %while3A_152 = arith.divsi %while3A_149, %while3A_151 : i32
    %while3A_153 = arith.muli %while3A_152, %while3A_151 : i32
    %while3A_154 = arith.addi %while3A, %while3A_153 : i32
    %while3A_155 = arith.constant 1 : i32
    %while3A_156 = scf.for %while3A_201 = %while3A to %while3A_154 step %while3A_155 iter_args(%while3A_202 = %broadcast_in_dim3A_127) -> (vector<1x1024xf32>)  : i32 {
      %mul3A_203 = arith.constant 4 : i32
      %mul3A_204 = arith.muli %mul3A_203, %while3A_201 : i32
      %get3A_205 = arith.index_cast %mul3A_204 : i32 to index
      %get3A_206 = arith.constant 0 : index
      %get3A_207 = vector.load %arg12[%get3A_205, %get3A_206] : memref<1024x1024xf32, #tpu.memory_space<vmem>>, vector<1x1024xf32>
      %eq3A_208 = vector.broadcast %mul3A_204 : i32 to vector<1x1024xi32>
      %eq3A_209 = arith.cmpi eq, %iota3A, %eq3A_208 : vector<1x1024xi32>
      %jit3A_210 = arith.constant 0.000000e+00 : f32
      %broadcast_in_dim3A_211 = vector.broadcast %jit3A_210 : f32 to vector<1x1024xf32>
      %select_n3A_212 = arith.select %eq3A_209, %while3A_202, %broadcast_in_dim3A_211 : vector<1x1024xi1>, vector<1x1024xf32>
      %reduce_max3A = vector.shape_cast %select_n3A_212 : vector<1x1024xf32> to vector<1x1x1024xf32>
      %reduce_max3A_213 = arith.constant dense<0xFF800000> : vector<1xf32>
      %reduce_max3A_214 = vector.multi_reduction <maximumf>, %reduce_max3A, %reduce_max3A_213 [1, 2] : vector<1x1x1024xf32> to vector<1xf32>
      %reduce_max3A_215 = vector.shape_cast %reduce_max3A_214 : vector<1xf32> to vector<1x1x1xf32>
      %reduce_max3A_216 = vector.extract %reduce_max3A_215[0, 0, 0] : f32 from vector<1x1x1xf32>
      %sub3A_217 = arith.constant 1.000000e+00 : f32
      %sub3A_218 = arith.subf %sub3A_217, %reduce_max3A_216 : f32
      %gt3A_219 = arith.constant 0.699999988 : f32
      %gt3A_220 = vector.broadcast %gt3A_219 : f32 to vector<1x1024xf32>
      %gt3A_221 = arith.cmpf ogt, %get3A_207, %gt3A_220 : vector<1x1024xf32>
      %gt3A_222 = vector.broadcast %mul3A_204 : i32 to vector<1x1024xi32>
      %gt3A_223 = arith.cmpi sgt, %iota3A, %gt3A_222 : vector<1x1024xi32>
      %and3A_224 = arith.andi %gt3A_221, %gt3A_223 : vector<1x1024xi1>
      %jit3A_225 = arith.constant 0.000000e+00 : f32
      %broadcast_in_dim3A_226 = vector.broadcast %sub3A_218 : f32 to vector<1x1024xf32>
      %broadcast_in_dim3A_227 = vector.broadcast %jit3A_225 : f32 to vector<1x1024xf32>
      %select_n3A_228 = arith.select %and3A_224, %broadcast_in_dim3A_226, %broadcast_in_dim3A_227 : vector<1x1024xi1>, vector<1x1024xf32>
      %max3A_229 = arith.maximumf %while3A_202, %select_n3A_228 : vector<1x1024xf32>
      %add3A_230 = arith.constant 1 : i32
      %add3A_231 = arith.addi %mul3A_204, %add3A_230 : i32
      %get3A_232 = arith.index_cast %add3A_231 : i32 to index
      %get3A_233 = arith.constant 0 : index
      %get3A_234 = vector.load %arg12[%get3A_232, %get3A_233] : memref<1024x1024xf32, #tpu.memory_space<vmem>>, vector<1x1024xf32>
      %eq3A_235 = vector.broadcast %add3A_231 : i32 to vector<1x1024xi32>
      %eq3A_236 = arith.cmpi eq, %iota3A, %eq3A_235 : vector<1x1024xi32>
      %jit3A_237 = arith.constant 0.000000e+00 : f32
      %broadcast_in_dim3A_238 = vector.broadcast %jit3A_237 : f32 to vector<1x1024xf32>
      %select_n3A_239 = arith.select %eq3A_236, %max3A_229, %broadcast_in_dim3A_238 : vector<1x1024xi1>, vector<1x1024xf32>
      %reduce_max3A_240 = vector.shape_cast %select_n3A_239 : vector<1x1024xf32> to vector<1x1x1024xf32>
      %reduce_max3A_241 = arith.constant dense<0xFF800000> : vector<1xf32>
      %reduce_max3A_242 = vector.multi_reduction <maximumf>, %reduce_max3A_240, %reduce_max3A_241 [1, 2] : vector<1x1x1024xf32> to vector<1xf32>
      %reduce_max3A_243 = vector.shape_cast %reduce_max3A_242 : vector<1xf32> to vector<1x1x1xf32>
      %reduce_max3A_244 = vector.extract %reduce_max3A_243[0, 0, 0] : f32 from vector<1x1x1xf32>
      %sub3A_245 = arith.constant 1.000000e+00 : f32
      %sub3A_246 = arith.subf %sub3A_245, %reduce_max3A_244 : f32
      %gt3A_247 = arith.constant 0.699999988 : f32
      %gt3A_248 = vector.broadcast %gt3A_247 : f32 to vector<1x1024xf32>
      %gt3A_249 = arith.cmpf ogt, %get3A_234, %gt3A_248 : vector<1x1024xf32>
      %gt3A_250 = vector.broadcast %add3A_231 : i32 to vector<1x1024xi32>
      %gt3A_251 = arith.cmpi sgt, %iota3A, %gt3A_250 : vector<1x1024xi32>
      %and3A_252 = arith.andi %gt3A_249, %gt3A_251 : vector<1x1024xi1>
      %jit3A_253 = arith.constant 0.000000e+00 : f32
      %broadcast_in_dim3A_254 = vector.broadcast %sub3A_246 : f32 to vector<1x1024xf32>
      %broadcast_in_dim3A_255 = vector.broadcast %jit3A_253 : f32 to vector<1x1024xf32>
      %select_n3A_256 = arith.select %and3A_252, %broadcast_in_dim3A_254, %broadcast_in_dim3A_255 : vector<1x1024xi1>, vector<1x1024xf32>
      %max3A_257 = arith.maximumf %max3A_229, %select_n3A_256 : vector<1x1024xf32>
      %add3A_258 = arith.constant 2 : i32
      %add3A_259 = arith.addi %mul3A_204, %add3A_258 : i32
      %get3A_260 = arith.index_cast %add3A_259 : i32 to index
      %get3A_261 = arith.constant 0 : index
      %get3A_262 = vector.load %arg12[%get3A_260, %get3A_261] : memref<1024x1024xf32, #tpu.memory_space<vmem>>, vector<1x1024xf32>
      %eq3A_263 = vector.broadcast %add3A_259 : i32 to vector<1x1024xi32>
      %eq3A_264 = arith.cmpi eq, %iota3A, %eq3A_263 : vector<1x1024xi32>
      %jit3A_265 = arith.constant 0.000000e+00 : f32
      %broadcast_in_dim3A_266 = vector.broadcast %jit3A_265 : f32 to vector<1x1024xf32>
      %select_n3A_267 = arith.select %eq3A_264, %max3A_257, %broadcast_in_dim3A_266 : vector<1x1024xi1>, vector<1x1024xf32>
      %reduce_max3A_268 = vector.shape_cast %select_n3A_267 : vector<1x1024xf32> to vector<1x1x1024xf32>
      %reduce_max3A_269 = arith.constant dense<0xFF800000> : vector<1xf32>
      %reduce_max3A_270 = vector.multi_reduction <maximumf>, %reduce_max3A_268, %reduce_max3A_269 [1, 2] : vector<1x1x1024xf32> to vector<1xf32>
      %reduce_max3A_271 = vector.shape_cast %reduce_max3A_270 : vector<1xf32> to vector<1x1x1xf32>
      %reduce_max3A_272 = vector.extract %reduce_max3A_271[0, 0, 0] : f32 from vector<1x1x1xf32>
      %sub3A_273 = arith.constant 1.000000e+00 : f32
      %sub3A_274 = arith.subf %sub3A_273, %reduce_max3A_272 : f32
      %gt3A_275 = arith.constant 0.699999988 : f32
      %gt3A_276 = vector.broadcast %gt3A_275 : f32 to vector<1x1024xf32>
      %gt3A_277 = arith.cmpf ogt, %get3A_262, %gt3A_276 : vector<1x1024xf32>
      %gt3A_278 = vector.broadcast %add3A_259 : i32 to vector<1x1024xi32>
      %gt3A_279 = arith.cmpi sgt, %iota3A, %gt3A_278 : vector<1x1024xi32>
      %and3A_280 = arith.andi %gt3A_277, %gt3A_279 : vector<1x1024xi1>
      %jit3A_281 = arith.constant 0.000000e+00 : f32
      %broadcast_in_dim3A_282 = vector.broadcast %sub3A_274 : f32 to vector<1x1024xf32>
      %broadcast_in_dim3A_283 = vector.broadcast %jit3A_281 : f32 to vector<1x1024xf32>
      %select_n3A_284 = arith.select %and3A_280, %broadcast_in_dim3A_282, %broadcast_in_dim3A_283 : vector<1x1024xi1>, vector<1x1024xf32>
      %max3A_285 = arith.maximumf %max3A_257, %select_n3A_284 : vector<1x1024xf32>
      %add3A_286 = arith.constant 3 : i32
      %add3A_287 = arith.addi %mul3A_204, %add3A_286 : i32
      %get3A_288 = arith.index_cast %add3A_287 : i32 to index
      %get3A_289 = arith.constant 0 : index
      %get3A_290 = vector.load %arg12[%get3A_288, %get3A_289] : memref<1024x1024xf32, #tpu.memory_space<vmem>>, vector<1x1024xf32>
      %eq3A_291 = vector.broadcast %add3A_287 : i32 to vector<1x1024xi32>
      %eq3A_292 = arith.cmpi eq, %iota3A, %eq3A_291 : vector<1x1024xi32>
      %jit3A_293 = arith.constant 0.000000e+00 : f32
      %broadcast_in_dim3A_294 = vector.broadcast %jit3A_293 : f32 to vector<1x1024xf32>
      %select_n3A_295 = arith.select %eq3A_292, %max3A_285, %broadcast_in_dim3A_294 : vector<1x1024xi1>, vector<1x1024xf32>
      %reduce_max3A_296 = vector.shape_cast %select_n3A_295 : vector<1x1024xf32> to vector<1x1x1024xf32>
      %reduce_max3A_297 = arith.constant dense<0xFF800000> : vector<1xf32>
      %reduce_max3A_298 = vector.multi_reduction <maximumf>, %reduce_max3A_296, %reduce_max3A_297 [1, 2] : vector<1x1x1024xf32> to vector<1xf32>
      %reduce_max3A_299 = vector.shape_cast %reduce_max3A_298 : vector<1xf32> to vector<1x1x1xf32>
      %reduce_max3A_300 = vector.extract %reduce_max3A_299[0, 0, 0] : f32 from vector<1x1x1xf32>
      %sub3A_301 = arith.constant 1.000000e+00 : f32
      %sub3A_302 = arith.subf %sub3A_301, %reduce_max3A_300 : f32
      %gt3A_303 = arith.constant 0.699999988 : f32
      %gt3A_304 = vector.broadcast %gt3A_303 : f32 to vector<1x1024xf32>
      %gt3A_305 = arith.cmpf ogt, %get3A_290, %gt3A_304 : vector<1x1024xf32>
      %gt3A_306 = vector.broadcast %add3A_287 : i32 to vector<1x1024xi32>
      %gt3A_307 = arith.cmpi sgt, %iota3A, %gt3A_306 : vector<1x1024xi32>
      %and3A_308 = arith.andi %gt3A_305, %gt3A_307 : vector<1x1024xi1>
      %jit3A_309 = arith.constant 0.000000e+00 : f32
      %broadcast_in_dim3A_310 = vector.broadcast %sub3A_302 : f32 to vector<1x1024xf32>
      %broadcast_in_dim3A_311 = vector.broadcast %jit3A_309 : f32 to vector<1x1024xf32>
      %select_n3A_312 = arith.select %and3A_308, %broadcast_in_dim3A_310, %broadcast_in_dim3A_311 : vector<1x1024xi1>, vector<1x1024xf32>
      %max3A_313 = arith.maximumf %max3A_285, %select_n3A_312 : vector<1x1024xf32>
      scf.yield %max3A_313 : vector<1x1024xf32>
    }
    %while3A_157 = arith.constant 1 : i32
    %while3A_158 = scf.for %while3A_201 = %while3A_154 to %while3A_150 step %while3A_157 iter_args(%while3A_202 = %while3A_156) -> (vector<1x1024xf32>)  : i32 {
      %mul3A_203 = arith.constant 4 : i32
      %mul3A_204 = arith.muli %mul3A_203, %while3A_201 : i32
      %get3A_205 = arith.index_cast %mul3A_204 : i32 to index
      %get3A_206 = arith.constant 0 : index
      %get3A_207 = vector.load %arg12[%get3A_205, %get3A_206] : memref<1024x1024xf32, #tpu.memory_space<vmem>>, vector<1x1024xf32>
      %eq3A_208 = vector.broadcast %mul3A_204 : i32 to vector<1x1024xi32>
      %eq3A_209 = arith.cmpi eq, %iota3A, %eq3A_208 : vector<1x1024xi32>
      %jit3A_210 = arith.constant 0.000000e+00 : f32
      %broadcast_in_dim3A_211 = vector.broadcast %jit3A_210 : f32 to vector<1x1024xf32>
      %select_n3A_212 = arith.select %eq3A_209, %while3A_202, %broadcast_in_dim3A_211 : vector<1x1024xi1>, vector<1x1024xf32>
      %reduce_max3A = vector.shape_cast %select_n3A_212 : vector<1x1024xf32> to vector<1x1x1024xf32>
      %reduce_max3A_213 = arith.constant dense<0xFF800000> : vector<1xf32>
      %reduce_max3A_214 = vector.multi_reduction <maximumf>, %reduce_max3A, %reduce_max3A_213 [1, 2] : vector<1x1x1024xf32> to vector<1xf32>
      %reduce_max3A_215 = vector.shape_cast %reduce_max3A_214 : vector<1xf32> to vector<1x1x1xf32>
      %reduce_max3A_216 = vector.extract %reduce_max3A_215[0, 0, 0] : f32 from vector<1x1x1xf32>
      %sub3A_217 = arith.constant 1.000000e+00 : f32
      %sub3A_218 = arith.subf %sub3A_217, %reduce_max3A_216 : f32
      %gt3A_219 = arith.constant 0.699999988 : f32
      %gt3A_220 = vector.broadcast %gt3A_219 : f32 to vector<1x1024xf32>
      %gt3A_221 = arith.cmpf ogt, %get3A_207, %gt3A_220 : vector<1x1024xf32>
      %gt3A_222 = vector.broadcast %mul3A_204 : i32 to vector<1x1024xi32>
      %gt3A_223 = arith.cmpi sgt, %iota3A, %gt3A_222 : vector<1x1024xi32>
      %and3A_224 = arith.andi %gt3A_221, %gt3A_223 : vector<1x1024xi1>
      %jit3A_225 = arith.constant 0.000000e+00 : f32
      %broadcast_in_dim3A_226 = vector.broadcast %sub3A_218 : f32 to vector<1x1024xf32>
      %broadcast_in_dim3A_227 = vector.broadcast %jit3A_225 : f32 to vector<1x1024xf32>
      %select_n3A_228 = arith.select %and3A_224, %broadcast_in_dim3A_226, %broadcast_in_dim3A_227 : vector<1x1024xi1>, vector<1x1024xf32>
      %max3A_229 = arith.maximumf %while3A_202, %select_n3A_228 : vector<1x1024xf32>
      %add3A_230 = arith.constant 1 : i32
      %add3A_231 = arith.addi %mul3A_204, %add3A_230 : i32
      %get3A_232 = arith.index_cast %add3A_231 : i32 to index
      %get3A_233 = arith.constant 0 : index
      %get3A_234 = vector.load %arg12[%get3A_232, %get3A_233] : memref<1024x1024xf32, #tpu.memory_space<vmem>>, vector<1x1024xf32>
      %eq3A_235 = vector.broadcast %add3A_231 : i32 to vector<1x1024xi32>
      %eq3A_236 = arith.cmpi eq, %iota3A, %eq3A_235 : vector<1x1024xi32>
      %jit3A_237 = arith.constant 0.000000e+00 : f32
      %broadcast_in_dim3A_238 = vector.broadcast %jit3A_237 : f32 to vector<1x1024xf32>
      %select_n3A_239 = arith.select %eq3A_236, %max3A_229, %broadcast_in_dim3A_238 : vector<1x1024xi1>, vector<1x1024xf32>
      %reduce_max3A_240 = vector.shape_cast %select_n3A_239 : vector<1x1024xf32> to vector<1x1x1024xf32>
      %reduce_max3A_241 = arith.constant dense<0xFF800000> : vector<1xf32>
      %reduce_max3A_242 = vector.multi_reduction <maximumf>, %reduce_max3A_240, %reduce_max3A_241 [1, 2] : vector<1x1x1024xf32> to vector<1xf32>
      %reduce_max3A_243 = vector.shape_cast %reduce_max3A_242 : vector<1xf32> to vector<1x1x1xf32>
      %reduce_max3A_244 = vector.extract %reduce_max3A_243[0, 0, 0] : f32 from vector<1x1x1xf32>
      %sub3A_245 = arith.constant 1.000000e+00 : f32
      %sub3A_246 = arith.subf %sub3A_245, %reduce_max3A_244 : f32
      %gt3A_247 = arith.constant 0.699999988 : f32
      %gt3A_248 = vector.broadcast %gt3A_247 : f32 to vector<1x1024xf32>
      %gt3A_249 = arith.cmpf ogt, %get3A_234, %gt3A_248 : vector<1x1024xf32>
      %gt3A_250 = vector.broadcast %add3A_231 : i32 to vector<1x1024xi32>
      %gt3A_251 = arith.cmpi sgt, %iota3A, %gt3A_250 : vector<1x1024xi32>
      %and3A_252 = arith.andi %gt3A_249, %gt3A_251 : vector<1x1024xi1>
      %jit3A_253 = arith.constant 0.000000e+00 : f32
      %broadcast_in_dim3A_254 = vector.broadcast %sub3A_246 : f32 to vector<1x1024xf32>
      %broadcast_in_dim3A_255 = vector.broadcast %jit3A_253 : f32 to vector<1x1024xf32>
      %select_n3A_256 = arith.select %and3A_252, %broadcast_in_dim3A_254, %broadcast_in_dim3A_255 : vector<1x1024xi1>, vector<1x1024xf32>
      %max3A_257 = arith.maximumf %max3A_229, %select_n3A_256 : vector<1x1024xf32>
      %add3A_258 = arith.constant 2 : i32
      %add3A_259 = arith.addi %mul3A_204, %add3A_258 : i32
      %get3A_260 = arith.index_cast %add3A_259 : i32 to index
      %get3A_261 = arith.constant 0 : index
      %get3A_262 = vector.load %arg12[%get3A_260, %get3A_261] : memref<1024x1024xf32, #tpu.memory_space<vmem>>, vector<1x1024xf32>
      %eq3A_263 = vector.broadcast %add3A_259 : i32 to vector<1x1024xi32>
      %eq3A_264 = arith.cmpi eq, %iota3A, %eq3A_263 : vector<1x1024xi32>
      %jit3A_265 = arith.constant 0.000000e+00 : f32
      %broadcast_in_dim3A_266 = vector.broadcast %jit3A_265 : f32 to vector<1x1024xf32>
      %select_n3A_267 = arith.select %eq3A_264, %max3A_257, %broadcast_in_dim3A_266 : vector<1x1024xi1>, vector<1x1024xf32>
      %reduce_max3A_268 = vector.shape_cast %select_n3A_267 : vector<1x1024xf32> to vector<1x1x1024xf32>
      %reduce_max3A_269 = arith.constant dense<0xFF800000> : vector<1xf32>
      %reduce_max3A_270 = vector.multi_reduction <maximumf>, %reduce_max3A_268, %reduce_max3A_269 [1, 2] : vector<1x1x1024xf32> to vector<1xf32>
      %reduce_max3A_271 = vector.shape_cast %reduce_max3A_270 : vector<1xf32> to vector<1x1x1xf32>
      %reduce_max3A_272 = vector.extract %reduce_max3A_271[0, 0, 0] : f32 from vector<1x1x1xf32>
      %sub3A_273 = arith.constant 1.000000e+00 : f32
      %sub3A_274 = arith.subf %sub3A_273, %reduce_max3A_272 : f32
      %gt3A_275 = arith.constant 0.699999988 : f32
      %gt3A_276 = vector.broadcast %gt3A_275 : f32 to vector<1x1024xf32>
      %gt3A_277 = arith.cmpf ogt, %get3A_262, %gt3A_276 : vector<1x1024xf32>
      %gt3A_278 = vector.broadcast %add3A_259 : i32 to vector<1x1024xi32>
      %gt3A_279 = arith.cmpi sgt, %iota3A, %gt3A_278 : vector<1x1024xi32>
      %and3A_280 = arith.andi %gt3A_277, %gt3A_279 : vector<1x1024xi1>
      %jit3A_281 = arith.constant 0.000000e+00 : f32
      %broadcast_in_dim3A_282 = vector.broadcast %sub3A_274 : f32 to vector<1x1024xf32>
      %broadcast_in_dim3A_283 = vector.broadcast %jit3A_281 : f32 to vector<1x1024xf32>
      %select_n3A_284 = arith.select %and3A_280, %broadcast_in_dim3A_282, %broadcast_in_dim3A_283 : vector<1x1024xi1>, vector<1x1024xf32>
      %max3A_285 = arith.maximumf %max3A_257, %select_n3A_284 : vector<1x1024xf32>
      %add3A_286 = arith.constant 3 : i32
      %add3A_287 = arith.addi %mul3A_204, %add3A_286 : i32
      %get3A_288 = arith.index_cast %add3A_287 : i32 to index
      %get3A_289 = arith.constant 0 : index
      %get3A_290 = vector.load %arg12[%get3A_288, %get3A_289] : memref<1024x1024xf32, #tpu.memory_space<vmem>>, vector<1x1024xf32>
      %eq3A_291 = vector.broadcast %add3A_287 : i32 to vector<1x1024xi32>
      %eq3A_292 = arith.cmpi eq, %iota3A, %eq3A_291 : vector<1x1024xi32>
      %jit3A_293 = arith.constant 0.000000e+00 : f32
      %broadcast_in_dim3A_294 = vector.broadcast %jit3A_293 : f32 to vector<1x1024xf32>
      %select_n3A_295 = arith.select %eq3A_292, %max3A_285, %broadcast_in_dim3A_294 : vector<1x1024xi1>, vector<1x1024xf32>
      %reduce_max3A_296 = vector.shape_cast %select_n3A_295 : vector<1x1024xf32> to vector<1x1x1024xf32>
      %reduce_max3A_297 = arith.constant dense<0xFF800000> : vector<1xf32>
      %reduce_max3A_298 = vector.multi_reduction <maximumf>, %reduce_max3A_296, %reduce_max3A_297 [1, 2] : vector<1x1x1024xf32> to vector<1xf32>
      %reduce_max3A_299 = vector.shape_cast %reduce_max3A_298 : vector<1xf32> to vector<1x1x1xf32>
      %reduce_max3A_300 = vector.extract %reduce_max3A_299[0, 0, 0] : f32 from vector<1x1x1xf32>
      %sub3A_301 = arith.constant 1.000000e+00 : f32
      %sub3A_302 = arith.subf %sub3A_301, %reduce_max3A_300 : f32
      %gt3A_303 = arith.constant 0.699999988 : f32
      %gt3A_304 = vector.broadcast %gt3A_303 : f32 to vector<1x1024xf32>
      %gt3A_305 = arith.cmpf ogt, %get3A_290, %gt3A_304 : vector<1x1024xf32>
      %gt3A_306 = vector.broadcast %add3A_287 : i32 to vector<1x1024xi32>
      %gt3A_307 = arith.cmpi sgt, %iota3A, %gt3A_306 : vector<1x1024xi32>
      %and3A_308 = arith.andi %gt3A_305, %gt3A_307 : vector<1x1024xi1>
      %jit3A_309 = arith.constant 0.000000e+00 : f32
      %broadcast_in_dim3A_310 = vector.broadcast %sub3A_302 : f32 to vector<1x1024xf32>
      %broadcast_in_dim3A_311 = vector.broadcast %jit3A_309 : f32 to vector<1x1024xf32>
      %select_n3A_312 = arith.select %and3A_308, %broadcast_in_dim3A_310, %broadcast_in_dim3A_311 : vector<1x1024xi1>, vector<1x1024xf32>
      %max3A_313 = arith.maximumf %max3A_285, %select_n3A_312 : vector<1x1024xf32>
      scf.yield %max3A_313 : vector<1x1024xf32>
    }
    %squeeze3A = vector.shape_cast %while3A_158 : vector<1x1024xf32> to vector<1024xf32>
    %eq3A_159 = arith.constant 0.000000e+00 : f32
    %eq3A_160 = vector.broadcast %eq3A_159 : f32 to vector<1024xf32>
    %eq3A_161 = arith.cmpf oeq, %squeeze3A, %eq3A_160 : vector<1024xf32>
    %and3A_162 = arith.andi %and3A_64, %eq3A_161 : vector<1024xi1>
    %jit3A_163 = arith.constant 0xFF800000 : f32
    %broadcast_in_dim3A_164 = vector.broadcast %jit3A_163 : f32 to vector<1024xf32>
    %select_n3A_165 = arith.select %and3A_162, %logistic3A_54, %broadcast_in_dim3A_164 : vector<1024xi1>, vector<1024xf32>
    %swap3A_166 = arith.constant 0 : index
    %swap3A_167 = arith.constant 0 : index
    %swap3A_168 = arith.constant 0 : index
    %swap3A_169 = arith.constant 0 : index
    %swap3A_170 = vector.load %arg7[%swap3A_166, %swap3A_167, %swap3A_168, %swap3A_169] : memref<1x1x1x1024xf32, #tpu.memory_space<vmem>>, vector<1x1x1x1024xf32>
    %swap3A_171 = vector.shape_cast %swap3A_170 : vector<1x1x1x1024xf32> to vector<1024xf32>
    %swap3A_172 = vector.shape_cast %select_n3A_165 : vector<1024xf32> to vector<1x1x1x1024xf32>
    tpu.vector_store %arg7[%swap3A_166, %swap3A_167, %swap3A_168, %swap3A_169], %swap3A_172 {strides = array<i32>} : memref<1x1x1x1024xf32, #tpu.memory_space<vmem>>, vector<1x1x1x1024xf32>,
    %swap3A_173 = arith.constant 0 : index
    %swap3A_174 = arith.constant 0 : index
    %swap3A_175 = arith.constant 0 : index
    %swap3A_176 = arith.constant 0 : index
    %swap3A_177 = vector.load %arg8[%swap3A_173, %swap3A_174, %swap3A_175, %swap3A_176] : memref<1x1x1x1024xf32, #tpu.memory_space<vmem>>, vector<1x1x1x1024xf32>
    %swap3A_178 = vector.shape_cast %swap3A_177 : vector<1x1x1x1024xf32> to vector<1024xf32>
    %swap3A_179 = vector.shape_cast %select_n3A : vector<1024xf32> to vector<1x1x1x1024xf32>
    tpu.vector_store %arg8[%swap3A_173, %swap3A_174, %swap3A_175, %swap3A_176], %swap3A_179 {strides = array<i32>} : memref<1x1x1x1024xf32, #tpu.memory_space<vmem>>, vector<1x1x1x1024xf32>,
    %swap3A_180 = arith.constant 0 : index
    %swap3A_181 = arith.constant 0 : index
    %swap3A_182 = arith.constant 0 : index
    %swap3A_183 = arith.constant 0 : index
    %swap3A_184 = vector.load %arg9[%swap3A_180, %swap3A_181, %swap3A_182, %swap3A_183] : memref<1x1x1x1024xf32, #tpu.memory_space<vmem>>, vector<1x1x1x1024xf32>
    %swap3A_185 = vector.shape_cast %swap3A_184 : vector<1x1x1x1024xf32> to vector<1024xf32>
    %swap3A_186 = vector.shape_cast %select_n3A_66 : vector<1024xf32> to vector<1x1x1x1024xf32>
    tpu.vector_store %arg9[%swap3A_180, %swap3A_181, %swap3A_182, %swap3A_183], %swap3A_186 {strides = array<i32>} : memref<1x1x1x1024xf32, #tpu.memory_space<vmem>>, vector<1x1x1x1024xf32>,
    %swap3A_187 = arith.constant 0 : index
    %swap3A_188 = arith.constant 0 : index
    %swap3A_189 = arith.constant 0 : index
    %swap3A_190 = arith.constant 0 : index
    %swap3A_191 = vector.load %arg10[%swap3A_187, %swap3A_188, %swap3A_189, %swap3A_190] : memref<1x1x1x1024xf32, #tpu.memory_space<vmem>>, vector<1x1x1x1024xf32>
    %swap3A_192 = vector.shape_cast %swap3A_191 : vector<1x1x1x1024xf32> to vector<1024xf32>
    %swap3A_193 = vector.shape_cast %select_n3A_67 : vector<1024xf32> to vector<1x1x1x1024xf32>
    tpu.vector_store %arg10[%swap3A_187, %swap3A_188, %swap3A_189, %swap3A_190], %swap3A_193 {strides = array<i32>} : memref<1x1x1x1024xf32, #tpu.memory_space<vmem>>, vector<1x1x1x1024xf32>,
    %swap3A_194 = arith.constant 0 : index
    %swap3A_195 = arith.constant 0 : index
    %swap3A_196 = arith.constant 0 : index
    %swap3A_197 = arith.constant 0 : index
    %swap3A_198 = vector.load %arg11[%swap3A_194, %swap3A_195, %swap3A_196, %swap3A_197] : memref<1x1x1x1024xf32, #tpu.memory_space<vmem>>, vector<1x1x1x1024xf32>
    %swap3A_199 = vector.shape_cast %swap3A_198 : vector<1x1x1x1024xf32> to vector<1024xf32>
    %swap3A_200 = vector.shape_cast %select_n3A_68 : vector<1024xf32> to vector<1x1x1x1024xf32>
    tpu.vector_store %arg11[%swap3A_194, %swap3A_195, %swap3A_196, %swap3A_197], %swap3A_200 {strides = array<i32>} : memref<1x1x1x1024xf32, #tpu.memory_space<vmem>>, vector<1x1x1x1024xf32>,
    return
  }
  func.func @transform_0(%arg0: i32, %arg1: i32) -> (i32, i32, i32, i32) {
    %c0_i32 = arith.constant 0 : i32
    %c0_i32_0 = arith.constant 0 : i32
    %c0_i32_1 = arith.constant 0 : i32
    return %arg0, %arg1, %c0_i32, %c0_i32_0 : i32, i32, i32, i32
  }
  func.func @transform_1(%arg0: i32, %arg1: i32) -> (i32, i32, i32, i32) {
    %c0_i32 = arith.constant 0 : i32
    %c0_i32_0 = arith.constant 0 : i32
    %c0_i32_1 = arith.constant 0 : i32
    return %arg0, %arg1, %c0_i32, %c0_i32_0 : i32, i32, i32, i32
  }
  func.func @transform_2(%arg0: i32, %arg1: i32) -> (i32, i32, i32, i32) {
    %c0_i32 = arith.constant 0 : i32
    %c0_i32_0 = arith.constant 0 : i32
    %c0_i32_1 = arith.constant 0 : i32
    return %arg0, %arg1, %c0_i32, %c0_i32_0 : i32, i32, i32, i32
  }
  func.func @transform_3(%arg0: i32, %arg1: i32) -> (i32, i32, i32, i32) {
    %c0_i32 = arith.constant 0 : i32
    %c0_i32_0 = arith.constant 0 : i32
    %c0_i32_1 = arith.constant 0 : i32
    return %arg0, %arg1, %c0_i32, %c0_i32_0 : i32, i32, i32, i32
  }
  func.func @transform_4(%arg0: i32, %arg1: i32) -> (i32, i32, i32, i32) {
    %c0_i32 = arith.constant 0 : i32
    %c0_i32_0 = arith.constant 0 : i32
    %c0_i32_1 = arith.constant 0 : i32
    return %arg0, %arg1, %c0_i32, %c0_i32_0 : i32, i32, i32, i32
  }
  func.func @transform_5(%arg0: i32, %arg1: i32) -> (i32, i32, i32, i32) {
    %c0_i32 = arith.constant 0 : i32
    %c0_i32_0 = arith.constant 0 : i32
    %c0_i32_1 = arith.constant 0 : i32
    return %arg0, %arg1, %c0_i32, %c0_i32_0 : i32, i32, i32, i32
  }
  func.func @transform_6(%arg0: i32, %arg1: i32) -> (i32, i32, i32, i32) {
    %c0_i32 = arith.constant 0 : i32
    %c0_i32_0 = arith.constant 0 : i32
    %c0_i32_1 = arith.constant 0 : i32
    return %arg0, %arg1, %c0_i32, %c0_i32_0 : i32, i32, i32, i32
  }
  func.func @transform_7(%arg0: i32, %arg1: i32) -> (i32, i32, i32, i32) {
    %c0_i32 = arith.constant 0 : i32
    %c0_i32_0 = arith.constant 0 : i32
    %c0_i32_1 = arith.constant 0 : i32
    return %arg0, %arg1, %c0_i32, %c0_i32_0 : i32, i32, i32, i32
  }
  func.func @transform_8(%arg0: i32, %arg1: i32) -> (i32, i32, i32, i32) {
    %c0_i32 = arith.constant 0 : i32
    %c0_i32_0 = arith.constant 0 : i32
    %c0_i32_1 = arith.constant 0 : i32
    return %arg0, %arg1, %c0_i32, %c0_i32_0 : i32, i32, i32, i32
  }
  func.func @transform_9(%arg0: i32, %arg1: i32) -> (i32, i32, i32, i32) {
    %c0_i32 = arith.constant 0 : i32
    %c0_i32_0 = arith.constant 0 : i32
    %c0_i32_1 = arith.constant 0 : i32
    return %arg0, %arg1, %c0_i32, %c0_i32_0 : i32, i32, i32, i32
  }
}

</mosaic_0001>

<sc_bundles>
// kernel: gather_offload_async_start.1
scs
__scs_entry_jumppad:
0x0: {  	(pc) =	sbr.rel $0x88, $3  }
0x1: {  	(tag) =	ssettag $0x0;
	lr =	simm.s32 $0x1  }
0x2: {  	[smem:$0x3F9F] =	sst lr;
	_ =	strace $0xD0000000  }
0x3: {  	_ = 	snop  }
0x4: {  	_ = 	snop  }
0x5: {  	_ = 	snop  }
0x6: {  	_ = 	snop  }
0x7: {  	_ = 	snop  }
__scs_overlays_trampoline_lowered:
0x8: {  	[smem:$0x3FAE] =	sst s0  }
0x9: {  	[smem:$0x3FAF] =	sst s1  }
0xa: {  	[smem:$0x3FB0] =	sst s2  }
0xb: {  	[smem:$0x3FB1] =	sst s3  }
0xc: {  	[smem:$0x3FB2] =	sst s4  }
0xd: {  	[smem:$0x3FB3] =	sst s5  }
0xe: {  	[smem:$0x3FB4] =	sst s6  }
0xf: {  	[smem:$0x3FB5] =	sst s7  }
0x10: {  	[smem:$0x3FB6] =	sst s8  }
0x11: {  	[smem:$0x3FB7] =	sst s9;
	s0 =	simm.s32 @!p0 $0x0  }
0x12: {  	s1 =	sld [smem:$0x3F9D];
	s0 =	simm.s32 @p0 $0x1  }
0x13: {  	[smem:$0x3FB8] =	sst s0;
	s0 =	simm.s32 @!p1 $0x0  }
0x14: {  	s2 =	sld [smem:$0x3F9C];
	s0 =	simm.s32 @p1 $0x1  }
0x15: {  	[smem:$0x3FB9] =	sst s0;
	s0 =	simm.s32 @!p2 $0x0  }
0x16: {  	s3 =	sld [smem:$0x3FDB];
	s0 =	simm.s32 @p2 $0x1  }
0x17: {  	s4 =	simm.s32 $0x1BF5;
	[smem:$0x3FBB] =	sst s0  }
0x18: {  	s0 =	sld [smem:$0x3F9E];
	_ =	swait.ge [sflag:s4], $0x0  }
0x19: {  	s7 =	sld [smem:$0x3F9F]  }
0x1a: {  	s8 =	sadd.s32 $0xFFFFE003, lr  }
0x1b: {  	s9 =	sadd.s32 $0xFFFFFEF7, lr;
	s5 =	simm.s32 $0xFFFFFFFF;
	p2 =	slt.u32 s8, $0xFFFFF086  }
0x1c: {  	p1 =	slt.u32 s9, $0xF7A;
	s5 =	simm.s32 @!p2 $0x0  }
0x1d: {  	s5 =	simm.s32 @p1 $0x1;
	p0 =	seq.s32 s7, s2  }
0x1e: {  	s7 =	smul.u32 @!p0 $0xF7A, s2;
	p2 =	seq.s32 @!p0 s5, $0x0  }
0x1f: {  	s9 =	smul.u32 $0xF7A, s1;
	s8 =	simm.s32 @!p0 $0x1BF5;
	p2 =	por !p2, p0  }
0x20: {  	[sflag:s8] =	ssyncset.s32 @!p0 $0xFFFFF086;
	s6 =	sadd.s32 @!p0 s3, s7;
	s7 =	simm.s32 @!p0 $0x108  }
0x21: {  	s3 =	sadd.s32 s3, s9;
	s6 =	sadd.s32 @!p0 $0x88, s6;
	s7 =	simm.s32 @p2 $0x1082  }
0x22: {  	[simem:s7], [sflag:s8] =	dma.local @!p0 [hbm:s6], $0xF7A  }
0x23: {  	s9 =	sor.u32 $0xD0000000, s2;
	s6 =	simm.s32 $0x108;
	_ =	swait.ge @!p0 [sflag:s8], $0x0  }
0x24: {  	s3 =	sadd.s32 $0x88, s3;
	s6 =	simm.s32 @!p1 $0x1082;
	[sflag:s4] =	ssyncset.s32 $0xFFFFF086  }
0x25: {  	[simem:s6], [sflag:s4] =	dma.local [hbm:s3], $0xF7A  }
0x26: {  	[smem:$0x3F9F] =	sst s1;
	(tag) =	ssettag s2;
	_ =	strace s9  }
0x27: {  	s1 =	sld [smem:$0x3FAF]  }
0x28: {  	s2 =	sld [smem:$0x3FB0]  }
0x29: {  	s4 =	sld [smem:$0x3FB2]  }
0x2a: {  	p0 =	seq.s32 s5, $0x0;
	s5 =	sld [smem:$0x3FB3]  }
0x2b: {  	s6 =	sld [smem:$0x3FB4]  }
0x2c: {  	s7 =	sld [smem:$0x3FB5]  }
0x2d: {  	s3 =	simm.s32 $0x108;
	s8 =	sld [smem:$0x3FB6]  }
0x2e: {  	s3 =	simm.s32 @!p0 $0x1082;
	s9 =	sld [smem:$0x3FB7]  }
0x2f: {  	lr =	sadd.s32 s0, s3;
	s0 =	sld [smem:$0x3FAE]  }
0x30: {  	s3 =	sld [smem:$0x3FB1]  }
0x31: {  	[smem:$0x3FBA] =	sst s10  }
0x32: {  	s10 =	sld [smem:$0x3FB8];
	_ =	sdelay $0x3  }
0x33: {  	p0 =	seq.s32 s10, $0x1;
	s10 =	sld [smem:$0x3FBA];
	_ =	sdelay $0x3  }
0x34: {  	[smem:$0x3FBA] =	sst s10  }
0x35: {  	s10 =	sld [smem:$0x3FB9];
	_ =	sdelay $0x3  }
0x36: {  	p1 =	seq.s32 s10, $0x1;
	s10 =	sld [smem:$0x3FBA];
	_ =	sdelay $0x3  }
0x37: {  	[smem:$0x3FBA] =	sst s10  }
0x38: {  	s10 =	sld [smem:$0x3FBB]  }
0x39: {  	_ = 	snop;
	(pc) =	sbr.ind lr, $3  }
0x3a: {  	_ = 	snop  }
0x3b: {  	_ = 	snop  }
0x3c: {  	p2 =	seq.s32 s10, $0x1;
	s10 =	sld [smem:$0x3FBA]  }
0x3d: {  	_ =	shalt  }
0x3e: {  	_ =	shalt  }
0x3f: {  	_ =	shalt  }
0x40: {  	_ =	shalt  }
0x41: {  	_ =	shalt  }
0x42: {  	_ =	shalt  }
0x43: {  	_ =	shalt  }
0x44: {  	_ =	shalt  }
0x45: {  	_ =	shalt  }
0x46: {  	_ =	shalt  }
0x47: {  	_ =	shalt  }
0x48: {  	_ =	shalt  }
0x49: {  	_ =	shalt  }
0x4a: {  	_ =	shalt  }
0x4b: {  	_ =	shalt  }
0x4c: {  	_ =	shalt  }
0x4d: {  	_ =	shalt  }
0x4e: {  	_ =	shalt  }
0x4f: {  	_ =	shalt  }
0x50: {  	_ =	shalt  }
0x51: {  	_ =	shalt  }
0x52: {  	_ =	shalt  }
0x53: {  	_ =	shalt  }
0x54: {  	_ =	shalt  }
0x55: {  	_ =	shalt  }
0x56: {  	_ =	shalt  }
0x57: {  	_ =	shalt  }
0x58: {  	_ =	shalt  }
0x59: {  	_ =	shalt  }
0x5a: {  	_ =	shalt  }
0x5b: {  	_ =	shalt  }
0x5c: {  	_ =	shalt  }
0x5d: {  	_ =	shalt  }
0x5e: {  	_ =	shalt  }
0x5f: {  	_ =	shalt  }
0x60: {  	_ =	shalt  }
0x61: {  	_ =	shalt  }
0x62: {  	_ =	shalt  }
0x63: {  	_ =	shalt  }
0x64: {  	_ =	shalt  }
0x65: {  	_ =	shalt  }
0x66: {  	_ =	shalt  }
0x67: {  	_ =	shalt  }
0x68: {  	_ =	shalt  }
0x69: {  	_ =	shalt  }
0x6a: {  	_ =	shalt  }
0x6b: {  	_ =	shalt  }
0x6c: {  	_ =	shalt  }
0x6d: {  	_ =	shalt  }
0x6e: {  	_ =	shalt  }
0x6f: {  	_ =	shalt  }
0x70: {  	_ =	shalt  }
0x71: {  	_ =	shalt  }
0x72: {  	_ =	shalt  }
0x73: {  	_ =	shalt  }
0x74: {  	_ =	shalt  }
0x75: {  	_ =	shalt  }
0x76: {  	_ =	shalt  }
0x77: {  	_ =	shalt  }
0x78: {  	_ =	shalt  }
0x79: {  	_ =	shalt  }
0x7a: {  	_ =	shalt  }
0x7b: {  	_ =	shalt  }
0x7c: {  	_ =	shalt  }
0x7d: {  	_ =	shalt  }
0x7e: {  	_ =	shalt  }
0x7f: {  	_ =	shalt  }
0x80: {  	_ =	shalt  }
0x81: {  	_ =	shalt  }
0x82: {  	_ =	shalt  }
0x83: {  	_ =	shalt  }
0x84: {  	_ =	shalt  }
0x85: {  	_ =	shalt  }
0x86: {  	_ =	shalt  }
0x87: {  	_ =	shalt  }
.Lfunc_end0:
.L_simem_size_0:
called_computation.1_lowered:
.L_overlay_start_0:
0x88: {  	s2 =	sld [smem:$0x3FD9]  }
0x89: {  	s3 =	sld [smem:$0x3FFE];
	_ =	sdelay $0x1  }
0x8a: {  	s1 =	srdreg.scid  }
0x8b: {  	s0 =	sand.u32 $0x1, s1  }
0x8c: {  	s15 =	sshll.u32 s0, $0xA;
	s2 =	sadd.s32 s3, s2  }
0x8d: {  	s2 =	sadd.s32 s2, s15  }
0x8e: {  	[smem:$0x3FC6] =	sst s2  }
0x8f: {  	_ = 	snop  }
0x90: {  	s2 =	sld [smem:$0x3FD0];
	_ =	sdelay $0x2  }
0x91: {  	s16 =	simm.s32 $0xC;
	s4 =	simm.s32 $0x10  }
0x92: {  	[smem:s4], [sflag:s16] =	dma.local [hbm:s2], $0x1  }
0x93: {  	_ =	swait.eq [sflag:s16], $0x1  }
0x94: {  	[sflag:s16] =	ssyncset.done $0x0  }
0x95: {  	[sflag:s16] =	ssyncadd.s32 $0xFFFFFFFF  }
0x96: {  	s17 =	sld [smem:$0x10];
	(tm) =	ssettm $0x1  }
0x97: {  	s18 =	sld [smem:$0x3FFB];
	_ =	sdelay $0x3  }
0x98: {  	_ =	strace s18  }
0x99: {  	s2 =	sld [smem:$0x3FFC];
	_ =	sdelay $0x3  }
0x9a: {  	_ =	strace s2  }
0x9b: {  	s2 =	sld [smem:$0x3FFD];
	_ =	sdelay $0x3  }
0x9c: {  	_ =	strace s2  }
0x9d: {  	_ =	strace $0x8FFFFFFF  }
0x9e: {  	s19 =	sld [smem:$0x3FDB];
	_ =	sdelay $0x1  }
0x9f: {  	s20 =	simm.s32 $_scs_section_size  }
0xa0: {  	s5 =	simm.s32 $_size__tile_overlayer_lowered;
	s6 =	simm.s32 $_tile_overlayer_lowered  }
0xa1: {  	s7 =	simm.s32 $0x1BFF;
	s21 =	sshll.u32 s6, $0x1;
	s4 =	sadd.s32 s20, s19  }
0xa2: {  	s22 =	simm.s32 $0x0;
	s5 =	sshll.u32 s5, $0x1;
	s6 =	sadd.s32 s21, s4  }
0xa3: {  	[timem:s22], [sflag:s7] =	dma.local [hbm:s6], s5  }
0xa4: {  	_ =	swait.ge [sflag:s7], s5  }
0xa5: {  	s5 =	ssub.s32 $0x0, s5;
	[sflag:s7] =	ssyncset.done $0x0  }
0xa6: {  	[sflag:s7] =	ssyncadd.s32 s5;
	_ =	sdelay $0x1  }
0xa7: {  	s23 =	simm.s32 $0x1B8B  }
0xa8: {  	_ =	swait.ge [sflag:s23], $0x1  }
0xa9: {  	[sflag:s23] =	ssyncset.done $0x0  }
0xaa: {  	[sflag:s23] =	ssyncadd.s32 $0xFFFFFFFF  }
0xab: {  	s5 =	sld [smem:$0x0]  }
0xac: {  	s6 =	sand.u32 $0xFFFFFFFE, s1  }
0xad: {  	p0 =	sne.s32 s1, s6  }
0xae: {  	s6 =	sshll.u32 @p0 s6, $0xE  }
0xaf: {  	s6 =	sadd.s32 @p0 $0x11B8D, s6;
	s7 =	sshll.u32 @p0 s5, $0x11  }
0xb0: {  	s6 =	sor.u32 @p0 s7, s6  }
0xb1: {  	[sflag:s6] =	ssyncadd.remote.s32 @p0 $0x1;
	_ =	sdelay $0x1  }
0xb2: {  	s6 =	simm.s32 @p0 $0x1B8D  }
0xb3: {  	_ =	swait.eq @p0 [sflag:s6], $0x1  }
0xb4: {  	[sflag:s6] =	ssyncadd.s32 @p0 $0xFFFFFFFF  }
0xb5: {  	s7 =	sshll.u32 @!p0 s1, $0xE  }
0xb6: {  	s7 =	sor.u32 @!p0 $0x4000, s7;
	s6 =	simm.s32 @!p0 $0x1B8D  }
0xb7: {  	s5 =	sshll.u32 @!p0 s5, $0x11;
	s7 =	sadd.s32 @!p0 $0x11B8D, s7;
	_ =	swait.eq @!p0 [sflag:s6], $0x1  }
0xb8: {  	s5 =	sor.u32 @!p0 s5, s7;
	[sflag:s6] =	ssyncadd.s32 @!p0 $0xFFFFFFFF  }
0xb9: {  	s25 =	simm.s32 $0x1B8E;
	s24 =	sld [smem:$0x3FFE];
	[sflag:s5] =	ssyncadd.remote.s32 @!p0 $0x1  }
0xba: {  	s26 =	simm.s32 $execute0_lowered;
	[smem:$0x3FD2] =	sst s25  }
0xbb: {  	s6 =	sshll.u32 s26, $0x1;
	_ =	strace $0x8000004C;
	[dreg:$0x1] =	wrdreg $0xFFFFFFFF  }
0xbc: {  	s28 =	simm.s32 $_size_execute0_lowered;
	s4 =	sadd.s32 s4, s6;
	[dreg:$0x0] =	wrdreg $0x0  }
0xbd: {  	s6 =	sshll.u32 s28, $0x1;
	[dreg:$0x2] =	wrdreg s4  }
0xbe: {  	[dreg:$0x3] =	wrdreg s6  }
0xbf: {  	[dreg:$0x4] =	wrdreg $0xC0  }
0xc0: {  	_ =	task [dreg:s22], $0x5FFFF  }
0xc1: {  	[dreg:$0x1] =	wrdreg $0xFFFFFFFF  }
0xc2: {  	[dreg:$0x0] =	wrdreg $0x60  }
0xc3: {  	[dreg:$0x2] =	wrdreg s24  }
0xc4: {  	[dreg:$0x3] =	wrdreg s17  }
0xc5: {  	[dreg:$0x4] =	wrdreg $0x9  }
0xc6: {  	_ =	task.clear_ibuf [dreg:s22], $0x5FFFF;
	_ =	strace $0x9000004C  }
0xc7: {  	s29 =	simm.s32 $0x9;
	_ =	strace $0x8000004E  }
0xc8: {  	_ =	swait.ge [sflag:s29], $0x1  }
0xc9: {  	[sflag:s29] =	ssyncadd.s32 $0xFFFFFFFF  }
0xca: {  	_ =	strace $0x9000004E  }
0xcb: {  	_ =	sfence  }
0xcc: {  	s30 =	sld [smem:$0x0];
	_ =	sdelay $0x2  }
0xcd: {  	s31 =	sshll.u32 s1, $0xD;
	s1 =	sshrl.u32 s1, $0x2  }
0xce: {  	s4 =	sand.u32 $0x4000, s31;
	s1 =	sadd.s32 s1, s30  }
0xcf: {  	s0 =	sor.u32 s4, s0;
	s1 =	sshll.u32 s1, $0x11  }
0xd0: {  	s0 =	sor.u32 s1, s0  }
0xd1: {  	s0 =	sadd.s32 $0x8F2B, s0  }
0xd2: {  	[sflag:s0] =	ssyncadd.remote.s32 $0x1  }
0xd3: {  	_ =	sfence.sel $0xFFFF  }
0xd4: {  	[dreg:$0x0] =	wrdreg $0xFFFFFFFF;
	(pc) =	sbr.abs _section_cstart, $3  }
0xd5: {  	[dreg:$0x1] =	wrdreg $0xFFFFFFFF  }
0xd6: {  	_ =	task.clear_ibuf [dreg:s22], $0x2FFFF;
	_ =	strace $0x9FFFFFFF  }
0xd7: {  	(tm) =	ssettm $0x7FFFFFFF  }
tec
execute0_lowered:
.L_overlay_start_1:
0x0: {  	(tag) =	ssettag $0x1  }
0x1: {  	s0 =	srdreg.scid  }
0x2: {  	s1 =	sshll.u32 s0, $0x4  }
0x3: {  	s0 =	stileid.u32;
	s1 =	sand.u32 $0x10, s1  }
0x4: {  	s2 =	sor.u32 s0, s1  }
0x5: {  	s1 =	smin.u32 s2, $0x12  }
0x6: {  	s1 =	sadd.s32 s2, s1  }
0x7: {  	p0 =	slt.u32 s2, $0x12;
	s2 =	simm.s32 $0xA0;
	s1 =	smul.u32 $0x50, s1  }
0x8: {  	s2 =	simm.s32 @!p0 $0x50  }
0x9: {  	s2 =	sadd.s32 s2, s1  }
0xa: {  	s3 =	smin.u32 s2, $0xFA0  }
0xb: {  	s7 =	ssub.s32 s3, s1  }
0xc: {  	p0 =	sgt.s32 s7, $0x0  }
0xd: {  	s7 =	simm.s32 @!p0 $0x0  }
0xe: {  	s9 =	rddreg [dreg:$0x0];
	s31 =	smul.u32 $0xCCCD, s7  }
0xf: {  	s4 =	rddreg [dreg:$0x1];
	s6 =	simm.s32 $0x1  }
0x10: {  	s11 =	simm.s32 $0x3;
	s13 =	simm.s32 $0x0;
	s8 =	sshrl.u32 s31, $0x16  }
0x11: {  	s12 =	simm.s32 $0x0;
	s5 =	sadd.s32 $0x57E00, s9;
	s10 =	smul.u32 $0x50, s8  }
.Ltmp0:
0x12: {  	s9 =	sadd.s32 $0x117E00, s9;
	s2 =	rddreg [dreg:$0x2];
	(pc) =	sbr.rel .LBB2_1-.Ltmp0, $4  }
0x13: {  	_ =	strace $0x8000004D;
	p0 =	sne.s32 s7, s10;
	s10 =	simm.s32 $0x1  }
0x14: {  	[sflag:s6] =	ssyncpa.u1 $0x0;
	s7 =	simm.s32 $0x2;
	s10 =	simm.s32 @!p0 $0x0  }
0x15: {  	[sflag:s7] =	ssyncpa.u1 $0x0;
	p0 =	por $0x0, $0x0;
	s8 =	sadd.s32 s8, s10  }
0x16: {  	vm0 =	vmmov $0xff;
	vm1 =	vcmask $0x3F20;
	[sflag:s11] =	ssyncpa.u1 $0x0;
	s11 =	smov.u32 s1;
	s10 =	sadd.s32 $0x1, s8  }
.LBB2_6:
0x17: {  	[hbm:s17] =	stream.linear.scatter [tilespmem:s14], [sflag:$0x3], $0x400, $0x38;
	[tilespmem:$0x50A0] =	vst v63  }
.LBB2_7:
0x18: {  	s13 =	sadd.s32 $0x50, s11  }
0x19: {  	s15 =	smov.u32 s1;
	p2 =	slt.s32 s13, s3  }
0x1a: {  	s15 =	smov.u32 @p2 s13;
	p2 =	sne.s32 s12, s10  }
.Ltmp1:
0x1b: {  	p1 =	slt.u32 s12, $0x2;
	(pc) =	sbr.rel @!p2 .LBB2_8-.Ltmp1, $4  }
0x1c: {  	s14 =	simm.s32 @!p1 $0x3  }
0x1d: {  	s16 =	sadd.s32 $0x1, s12;
	_ =	swait.ge @!p1 [sflag:s14], $0x2800  }
0x1e: {  	p0 =	por !p0, !p0;
	s13 =	smov.u32 s11;
	[sflag:s14] =	ssyncset.done @!p1 $0x0  }
0x1f: {  	s12 =	smov.u32 s16;
	s11 =	smov.u32 s15;
	[sflag:s14] =	ssyncadd.s32 @!p1 $0xFFFFD800  }
.LBB2_1:
0x20: {  	p1 =	sge.u32 s12, s8  }
0x21: {  	s14 =	sxor.u32 @!p1 $0xFFFFFFFF, s12  }
0x22: {  	s14 =	sand.u32 @!p1 $0x1, s14  }
0x23: {  	s14 =	smul.u32 @!p1 $0x140, s14  }
0x24: {  	s31 =	sadd.s32 $0xFFFFFFFF, s12;
	s15 =	sshrl.u32 @!p1 s11, $0x3  }
0x25: {  	s16 =	sand.u32 @!p1 $0x7, s11;
	s15 =	sadd.s32 @!p1 s4, s15;
	s14 =	sshrl.u32 @!p1 s14, $0x2  }
0x26: {  	[tilespmem:s14], [sflag:$0x2] =	stream.linear.gather @!p1 [hbm4b:s15+s16], $0x50, $0x38;
	[tilespmem:$0x50A0] =	vst v63  }
0x27: {  	p1 =	sge.u32 s31, s8  }
.Ltmp2:
0x28: {  	_ = 	snop;
	(pc) =	sbr.rel @p1 .LBB2_7-.Ltmp2, $1  }
0x29: {  	_ =	sdelay $0x3  }
0x2a: {  	s14 =	simm.s32 $0x1  }
0x2b: {  	s14 =	simm.s32 @!p0 $0x0  }
0x2c: {  	s15 =	smul.u32 $0x140, s14  }
0x2d: {  	_ =	swait.ge [sflag:s7], $0x50  }
0x2e: {  	[sflag:s7] =	ssyncset.done $0x0;
	s16 =	sshrl.u32 s15, $0x2  }
0x2f: {  	[sflag:s7] =	ssyncadd.s32 $0xFFFFFFB0;
	s15 =	sadd.s32 $0x0, s16  }
0x30: {  	v0 =	vld.msk [tilespmem:s15+$0x0 ss:$0x1], $0xffff;
	_ =	sdelay $0x4  }
0x31: {  	v1 =	vand.u32 $0x3, v0;
	v2 =	vshll.u32 v0, $0x5  }
0x32: {  	vm2 =	veq.s32 v0, $0x80000000;
	v0 =	vmul.u32 $0x180000, v1;
	v1 =	vand.u32 $0x1FFF80, v2  }
0x33: {  	v1 =	vsel vm2, $0xFFFFFF80, v1  }
0x34: {  	v0 =	vsel vm2, $0xFFE80000, v0;
	v2 =	vand.u32 $0xFFFFFC00, v1  }
0x35: {  	v1 =	vand.u32 $0x380, v1;
	v0 =	vadd.s32 v0, v2  }
0x36: {  	v0 =	vor.u32 v1, v0  }
0x37: {  	v0 =	vshrl.u32 v0, $0x3  }
0x38: {  	s14 =	smul.u32 $0xA000, s14;
	_ =	sdelay $0x1  }
0x39: {  	s14 =	sshrl.u32 s14, $0x2  }
0x3a: {  	s14 =	sor.u32 $0xA0, s14  }
0x3b: {  	[tilespmem:s14], [sflag:$0x1] =	stream.indirect_vreg.gather [hbm:s5], $0x80, v0, vm0, $0x38;
	[tilespmem:$0x50A0] =	vst v63  }
0x3c: {  	s17 =	sadd.s32 $0x10, s16;
	s15 =	sadd.s32 $0x400, s14  }
0x3d: {  	[tilespmem:s15], [sflag:$0x1] =	stream.indirect_vreg.gather [hbm:s5], $0x80, v0, vm1, $0x38;
	[tilespmem:$0x50A0] =	vst v63  }
0x3e: {  	s18 =	simm.s32 $0x80;
	v0 =	vld.msk [tilespmem:s17+$0x0 ss:$0x1], $0xffff;
	s17 =	smov.u32 s14  }
.LBB2_3:
0x3f: {  	p1 =	sne.s32 s18, $0x100;
	_ =	sdelay $0x4  }
0x40: {  	v1 =	vand.u32 $0x3, v0;
	v2 =	vshll.u32 v0, $0x5  }
0x41: {  	vm2 =	veq.s32 v0, $0x80000000;
	v0 =	vmul.u32 $0x180000, v1;
	v1 =	vand.u32 $0x1FFF80, v2  }
0x42: {  	v1 =	vsel vm2, $0xFFFFFF80, v1  }
0x43: {  	v0 =	vsel vm2, $0xFFE80000, v0;
	v2 =	vand.u32 $0xFFFFFC00, v1  }
0x44: {  	v1 =	vand.u32 $0x380, v1;
	v0 =	vadd.s32 v0, v2  }
0x45: {  	v0 =	vor.u32 v1, v0  }
0x46: {  	v0 =	vshrl.u32 v0, $0x3;
	_ =	sdelay $0x3  }
.Ltmp3:
0x47: {  	s19 =	sshra.s32 s18, $0x2;
	s17 =	sadd.s32 $0x800, s17;
	(pc) =	sbr.rel @p1 .LBB2_3-.Ltmp3, $4  }
0x48: {  	[tilespmem:s17], [sflag:$0x1] =	stream.indirect_vreg.gather [hbm:s5], $0x80, v0, vm0, $0x38;
	[tilespmem:$0x50A0] =	vst v63  }
0x49: {  	s19 =	sadd.s32 s19, s16;
	s20 =	sadd.s32 $0x400, s17  }
0x4a: {  	[tilespmem:s20], [sflag:$0x1] =	stream.indirect_vreg.gather [hbm:s5], $0x80, v0, vm1, $0x38;
	[tilespmem:$0x50A0] =	vst v63  }
0x4b: {  	s18 =	sadd.s32 $0x40, s18;
	v0 =	vld.msk [tilespmem:s19+$0x0 ss:$0x1], $0xffff  }
0x4c: {  	_ =	sdelay $0x3  }
0x4d: {  	v1 =	vand.u32 $0x3, v0;
	v2 =	vshll.u32 v0, $0x5  }
0x4e: {  	vm2 =	veq.s32 v0, $0x80000000;
	v61 =	vmul.u32 $0x180000, v1;
	v62 =	vand.u32 $0x1FFF80, v2  }
0x4f: {  	v1 =	vsel vm2, $0xFFFFFF80, v62  }
0x50: {  	v0 =	vsel vm2, $0xFFE80000, v61;
	v63 =	vand.u32 $0xFFFFFC00, v1  }
0x51: {  	v1 =	vand.u32 $0x380, v1;
	v0 =	vadd.s32 v0, v63  }
0x52: {  	v0 =	vor.u32 v1, v0  }
0x53: {  	v0 =	vshrl.u32 v0, $0x3;
	_ =	sdelay $0x3  }
0x54: {  	s16 =	sadd.s32 $0x800, s17  }
0x55: {  	[tilespmem:s16], [sflag:$0x1] =	stream.indirect_vreg.gather [hbm:s5], $0x80, v0, vm0, $0x38;
	[tilespmem:$0x50A0] =	vst v63  }
0x56: {  	s16 =	sadd.s32 $0x400, s16  }
0x57: {  	[tilespmem:s16], [sflag:$0x1] =	stream.indirect_vreg.gather [hbm:s5], $0x80, v0, vm1, $0x38;
	[tilespmem:$0x50A0] =	vst v63  }
0x58: {  	s13 =	sshll.u32 s13, $0x4;
	_ =	swait.ge [sflag:s6], $0x2800  }
0x59: {  	s13 =	sadd.s32 s13, s9;
	[sflag:s6] =	ssyncset.done $0x0  }
0x5a: {  	s17 =	sadd.s32 $0x0, s13;
	s16 =	simm.s32 $0x80;
	[sflag:s6] =	ssyncadd.s32 $0xFFFFD800  }
.LBB2_5:
0x5b: {  	[hbm:s17] =	stream.linear.scatter [tilespmem:s14], [sflag:$0x3], $0x400, $0x38;
	[tilespmem:$0x50A0] =	vst v63  }
0x5c: {  	s17 =	smov.u32 s16;
	s14 =	smov.u32 s15;
	p1 =	sne.s32 s16, $0x480  }
.Ltmp4:
0x5d: {  	s16 =	sadd.s32 $0x80, s16;
	(pc) =	sbr.rel @p1 .LBB2_5-.Ltmp4, $2  }
0x5e: {  	_ =	sdelay $0x2  }
0x5f: {  	s15 =	sadd.s32 $0x400, s15;
	s17 =	sadd.s32 s17, s13  }
.Ltmp5:
0x60: {  	_ = 	snop;
	(pc) =	sbr.rel .LBB2_6-.Ltmp5, $1  }
0x61: {  	_ =	sdelay $0x3  }
.LBB2_8:
0x62: {  	_ =	sfence.sel $0x180000  }
0x63: {  	s1 =	simm.s32 $0x2;
	[bflag:$0x0] =	sbarrier.arrive $0xFFFF  }
0x64: {  	s30 =	simm.s32 $0x3;
	[sflag:s1] =	ssyncpa.u1 $0x1  }
0x65: {  	s31 =	simm.s32 $0x1;
	[sflag:s30] =	ssyncpa.u1 $0x1  }
0x66: {  	[sflag:s31] =	ssyncpa.u1 $0x1  }
0x67: {  	p0 =	sne.s32 s0, $0x0;
	_ =	strace $0x9000004D  }
0x68: {  	s0 =	sadd.s32 @!p0 $0x100000, s2;
	[bflag:$0x2] =	sbarrier.arrive $0xFFFF  }
0x69: {  	[sflag:s0] =	ssyncadd.tile.s32 @!p0 $0x1;
	_ =	shalt  }
.Lfunc_end2:
_tile_overlayer_lowered:
.L_overlay_start_2:
0x6a: {  	(tag) =	ssettag $0x2  }
0x6b: {  	s0 =	rddreg [dreg:$0x0];
	s2 =	stileid.u32  }
0x6c: {  	s1 =	rddreg [dreg:$0x1];
	p0 =	sne.s32 s2, $0x0  }
0x6d: {  	s3 =	rddreg [dreg:$0x2];
	[bflag:$0x3] =	sbarrier.arrive $0xFFFF;
	s2 =	simm.s32 @!p0 $0x1C01  }
0x6e: {  	[timem:s3], [sflag:s2] =	dma.local @!p0 [hbm:s0], s1  }
0x6f: {  	s0 =	simm.s32 @!p0 $0x1  }
0x70: {  	_ =	swait.ge @!p0 [sflag:s0], s1  }
0x71: {  	s1 =	ssub.s32 @!p0 $0x0, s1;
	[sflag:s0] =	ssyncset.done @!p0 $0x0  }
0x72: {  	[sflag:s0] =	ssyncadd.s32 @!p0 s1  }
0x73: {  	[bflag:$0x3] =	sbarrier.arrive $0xFFFF  }
0x74: {  	_ =	shalt  }

// kernel: gather_offload_async_start.2
scs
__scs_entry_jumppad:
0x0: {  	(pc) =	sbr.rel $0x88, $3  }
0x1: {  	(tag) =	ssettag $0x0;
	lr =	simm.s32 $0x1  }
0x2: {  	[smem:$0x3F9F] =	sst lr;
	_ =	strace $0xD0000000  }
0x3: {  	_ = 	snop  }
0x4: {  	_ = 	snop  }
0x5: {  	_ = 	snop  }
0x6: {  	_ = 	snop  }
0x7: {  	_ = 	snop  }
__scs_overlays_trampoline_lowered:
0x8: {  	[smem:$0x3FAE] =	sst s0  }
0x9: {  	[smem:$0x3FAF] =	sst s1  }
0xa: {  	[smem:$0x3FB0] =	sst s2  }
0xb: {  	[smem:$0x3FB1] =	sst s3  }
0xc: {  	[smem:$0x3FB2] =	sst s4  }
0xd: {  	[smem:$0x3FB3] =	sst s5  }
0xe: {  	[smem:$0x3FB4] =	sst s6  }
0xf: {  	[smem:$0x3FB5] =	sst s7  }
0x10: {  	[smem:$0x3FB6] =	sst s8  }
0x11: {  	[smem:$0x3FB7] =	sst s9;
	s0 =	simm.s32 @!p0 $0x0  }
0x12: {  	s1 =	sld [smem:$0x3F9D];
	s0 =	simm.s32 @p0 $0x1  }
0x13: {  	[smem:$0x3FB8] =	sst s0;
	s0 =	simm.s32 @!p1 $0x0  }
0x14: {  	s2 =	sld [smem:$0x3F9C];
	s0 =	simm.s32 @p1 $0x1  }
0x15: {  	[smem:$0x3FB9] =	sst s0;
	s0 =	simm.s32 @!p2 $0x0  }
0x16: {  	s3 =	sld [smem:$0x3FDB];
	s0 =	simm.s32 @p2 $0x1  }
0x17: {  	s4 =	simm.s32 $0x1BF5;
	[smem:$0x3FBB] =	sst s0  }
0x18: {  	s0 =	sld [smem:$0x3F9E];
	_ =	swait.ge [sflag:s4], $0x0  }
0x19: {  	s7 =	sld [smem:$0x3F9F]  }
0x1a: {  	s8 =	sadd.s32 $0xFFFFE003, lr  }
0x1b: {  	s9 =	sadd.s32 $0xFFFFFEF7, lr;
	s5 =	simm.s32 $0xFFFFFFFF;
	p2 =	slt.u32 s8, $0xFFFFF086  }
0x1c: {  	p1 =	slt.u32 s9, $0xF7A;
	s5 =	simm.s32 @!p2 $0x0  }
0x1d: {  	s5 =	simm.s32 @p1 $0x1;
	p0 =	seq.s32 s7, s2  }
0x1e: {  	s7 =	smul.u32 @!p0 $0xF7A, s2;
	p2 =	seq.s32 @!p0 s5, $0x0  }
0x1f: {  	s9 =	smul.u32 $0xF7A, s1;
	s8 =	simm.s32 @!p0 $0x1BF5;
	p2 =	por !p2, p0  }
0x20: {  	[sflag:s8] =	ssyncset.s32 @!p0 $0xFFFFF086;
	s6 =	sadd.s32 @!p0 s3, s7;
	s7 =	simm.s32 @!p0 $0x108  }
0x21: {  	s3 =	sadd.s32 s3, s9;
	s6 =	sadd.s32 @!p0 $0x88, s6;
	s7 =	simm.s32 @p2 $0x1082  }
0x22: {  	[simem:s7], [sflag:s8] =	dma.local @!p0 [hbm:s6], $0xF7A  }
0x23: {  	s9 =	sor.u32 $0xD0000000, s2;
	s6 =	simm.s32 $0x108;
	_ =	swait.ge @!p0 [sflag:s8], $0x0  }
0x24: {  	s3 =	sadd.s32 $0x88, s3;
	s6 =	simm.s32 @!p1 $0x1082;
	[sflag:s4] =	ssyncset.s32 $0xFFFFF086  }
0x25: {  	[simem:s6], [sflag:s4] =	dma.local [hbm:s3], $0xF7A  }
0x26: {  	[smem:$0x3F9F] =	sst s1;
	(tag) =	ssettag s2;
	_ =	strace s9  }
0x27: {  	s1 =	sld [smem:$0x3FAF]  }
0x28: {  	s2 =	sld [smem:$0x3FB0]  }
0x29: {  	s4 =	sld [smem:$0x3FB2]  }
0x2a: {  	p0 =	seq.s32 s5, $0x0;
	s5 =	sld [smem:$0x3FB3]  }
0x2b: {  	s6 =	sld [smem:$0x3FB4]  }
0x2c: {  	s7 =	sld [smem:$0x3FB5]  }
0x2d: {  	s3 =	simm.s32 $0x108;
	s8 =	sld [smem:$0x3FB6]  }
0x2e: {  	s3 =	simm.s32 @!p0 $0x1082;
	s9 =	sld [smem:$0x3FB7]  }
0x2f: {  	lr =	sadd.s32 s0, s3;
	s0 =	sld [smem:$0x3FAE]  }
0x30: {  	s3 =	sld [smem:$0x3FB1]  }
0x31: {  	[smem:$0x3FBA] =	sst s10  }
0x32: {  	s10 =	sld [smem:$0x3FB8];
	_ =	sdelay $0x3  }
0x33: {  	p0 =	seq.s32 s10, $0x1;
	s10 =	sld [smem:$0x3FBA];
	_ =	sdelay $0x3  }
0x34: {  	[smem:$0x3FBA] =	sst s10  }
0x35: {  	s10 =	sld [smem:$0x3FB9];
	_ =	sdelay $0x3  }
0x36: {  	p1 =	seq.s32 s10, $0x1;
	s10 =	sld [smem:$0x3FBA];
	_ =	sdelay $0x3  }
0x37: {  	[smem:$0x3FBA] =	sst s10  }
0x38: {  	s10 =	sld [smem:$0x3FBB]  }
0x39: {  	_ = 	snop;
	(pc) =	sbr.ind lr, $3  }
0x3a: {  	_ = 	snop  }
0x3b: {  	_ = 	snop  }
0x3c: {  	p2 =	seq.s32 s10, $0x1;
	s10 =	sld [smem:$0x3FBA]  }
0x3d: {  	_ =	shalt  }
0x3e: {  	_ =	shalt  }
0x3f: {  	_ =	shalt  }
0x40: {  	_ =	shalt  }
0x41: {  	_ =	shalt  }
0x42: {  	_ =	shalt  }
0x43: {  	_ =	shalt  }
0x44: {  	_ =	shalt  }
0x45: {  	_ =	shalt  }
0x46: {  	_ =	shalt  }
0x47: {  	_ =	shalt  }
0x48: {  	_ =	shalt  }
0x49: {  	_ =	shalt  }
0x4a: {  	_ =	shalt  }
0x4b: {  	_ =	shalt  }
0x4c: {  	_ =	shalt  }
0x4d: {  	_ =	shalt  }
0x4e: {  	_ =	shalt  }
0x4f: {  	_ =	shalt  }
0x50: {  	_ =	shalt  }
0x51: {  	_ =	shalt  }
0x52: {  	_ =	shalt  }
0x53: {  	_ =	shalt  }
0x54: {  	_ =	shalt  }
0x55: {  	_ =	shalt  }
0x56: {  	_ =	shalt  }
0x57: {  	_ =	shalt  }
0x58: {  	_ =	shalt  }
0x59: {  	_ =	shalt  }
0x5a: {  	_ =	shalt  }
0x5b: {  	_ =	shalt  }
0x5c: {  	_ =	shalt  }
0x5d: {  	_ =	shalt  }
0x5e: {  	_ =	shalt  }
0x5f: {  	_ =	shalt  }
0x60: {  	_ =	shalt  }
0x61: {  	_ =	shalt  }
0x62: {  	_ =	shalt  }
0x63: {  	_ =	shalt  }
0x64: {  	_ =	shalt  }
0x65: {  	_ =	shalt  }
0x66: {  	_ =	shalt  }
0x67: {  	_ =	shalt  }
0x68: {  	_ =	shalt  }
0x69: {  	_ =	shalt  }
0x6a: {  	_ =	shalt  }
0x6b: {  	_ =	shalt  }
0x6c: {  	_ =	shalt  }
0x6d: {  	_ =	shalt  }
0x6e: {  	_ =	shalt  }
0x6f: {  	_ =	shalt  }
0x70: {  	_ =	shalt  }
0x71: {  	_ =	shalt  }
0x72: {  	_ =	shalt  }
0x73: {  	_ =	shalt  }
0x74: {  	_ =	shalt  }
0x75: {  	_ =	shalt  }
0x76: {  	_ =	shalt  }
0x77: {  	_ =	shalt  }
0x78: {  	_ =	shalt  }
0x79: {  	_ =	shalt  }
0x7a: {  	_ =	shalt  }
0x7b: {  	_ =	shalt  }
0x7c: {  	_ =	shalt  }
0x7d: {  	_ =	shalt  }
0x7e: {  	_ =	shalt  }
0x7f: {  	_ =	shalt  }
0x80: {  	_ =	shalt  }
0x81: {  	_ =	shalt  }
0x82: {  	_ =	shalt  }
0x83: {  	_ =	shalt  }
0x84: {  	_ =	shalt  }
0x85: {  	_ =	shalt  }
0x86: {  	_ =	shalt  }
0x87: {  	_ =	shalt  }
.Lfunc_end0:
.L_simem_size_0:
called_computation.2_lowered:
.L_overlay_start_0:
0x88: {  	s2 =	sld [smem:$0x3FD9]  }
0x89: {  	s3 =	sld [smem:$0x3FFE];
	_ =	sdelay $0x1  }
0x8a: {  	s1 =	srdreg.scid  }
0x8b: {  	s0 =	sand.u32 $0x1, s1  }
0x8c: {  	s17 =	sshll.u32 s0, $0xA;
	s2 =	sadd.s32 s3, s2  }
0x8d: {  	s2 =	sadd.s32 s2, s17  }
0x8e: {  	[smem:$0x3FC6] =	sst s2  }
0x8f: {  	_ = 	snop  }
0x90: {  	(tm) =	ssettm $0x1  }
0x91: {  	s18 =	sld [smem:$0x3FFB];
	_ =	sdelay $0x3  }
0x92: {  	_ =	strace s18  }
0x93: {  	s2 =	sld [smem:$0x3FFC];
	_ =	sdelay $0x3  }
0x94: {  	_ =	strace s2  }
0x95: {  	s2 =	sld [smem:$0x3FFD];
	_ =	sdelay $0x3  }
0x96: {  	_ =	strace s2  }
0x97: {  	_ =	strace $0x8FFFFFFF  }
0x98: {  	s19 =	sld [smem:$0x3FDB];
	_ =	sdelay $0x1  }
0x99: {  	s20 =	simm.s32 $_scs_section_size  }
0x9a: {  	s4 =	simm.s32 $_size__tile_overlayer_lowered;
	s5 =	simm.s32 $_tile_overlayer_lowered  }
0x9b: {  	s6 =	simm.s32 $0x1BFF;
	s21 =	sshll.u32 s5, $0x1;
	s3 =	sadd.s32 s20, s19  }
0x9c: {  	s22 =	simm.s32 $0x0;
	s4 =	sshll.u32 s4, $0x1;
	s5 =	sadd.s32 s21, s3  }
0x9d: {  	[timem:s22], [sflag:s6] =	dma.local [hbm:s5], s4  }
0x9e: {  	_ =	swait.ge [sflag:s6], s4  }
0x9f: {  	s4 =	ssub.s32 $0x0, s4;
	[sflag:s6] =	ssyncset.done $0x0  }
0xa0: {  	[sflag:s6] =	ssyncadd.s32 s4;
	_ =	sdelay $0x1  }
0xa1: {  	s23 =	simm.s32 $0x1B8B  }
0xa2: {  	_ =	swait.ge [sflag:s23], $0x1  }
0xa3: {  	[sflag:s23] =	ssyncset.done $0x0  }
0xa4: {  	[sflag:s23] =	ssyncadd.s32 $0xFFFFFFFF  }
0xa5: {  	s4 =	sld [smem:$0x0]  }
0xa6: {  	s5 =	sand.u32 $0xFFFFFFFE, s1  }
0xa7: {  	p0 =	sne.s32 s1, s5  }
0xa8: {  	s5 =	sshll.u32 @p0 s5, $0xE  }
0xa9: {  	s5 =	sadd.s32 @p0 $0x11B8D, s5;
	s6 =	sshll.u32 @p0 s4, $0x11  }
0xaa: {  	s5 =	sor.u32 @p0 s6, s5  }
0xab: {  	[sflag:s5] =	ssyncadd.remote.s32 @p0 $0x1;
	_ =	sdelay $0x1  }
0xac: {  	s5 =	simm.s32 @p0 $0x1B8D  }
0xad: {  	_ =	swait.eq @p0 [sflag:s5], $0x1  }
0xae: {  	[sflag:s5] =	ssyncadd.s32 @p0 $0xFFFFFFFF  }
0xaf: {  	s6 =	sshll.u32 @!p0 s1, $0xE  }
0xb0: {  	s6 =	sor.u32 @!p0 $0x4000, s6;
	s5 =	simm.s32 @!p0 $0x1B8D  }
0xb1: {  	s4 =	sshll.u32 @!p0 s4, $0x11;
	s6 =	sadd.s32 @!p0 $0x11B8D, s6;
	_ =	swait.eq @!p0 [sflag:s5], $0x1  }
0xb2: {  	s4 =	sor.u32 @!p0 s4, s6;
	[sflag:s5] =	ssyncadd.s32 @!p0 $0xFFFFFFFF  }
0xb3: {  	s25 =	simm.s32 $0x1B8E;
	s24 =	sld [smem:$0x3FFE];
	[sflag:s4] =	ssyncadd.remote.s32 @!p0 $0x1  }
0xb4: {  	s26 =	simm.s32 $execute0_lowered;
	[smem:$0x3FD2] =	sst s25  }
0xb5: {  	s5 =	sshll.u32 s26, $0x1;
	_ =	strace $0x80000049;
	[dreg:$0x1] =	wrdreg $0xFFFFFFFF  }
0xb6: {  	s28 =	simm.s32 $_size_execute0_lowered;
	s3 =	sadd.s32 s3, s5;
	[dreg:$0x0] =	wrdreg $0x0  }
0xb7: {  	s5 =	sshll.u32 s28, $0x1;
	[dreg:$0x2] =	wrdreg s3  }
0xb8: {  	[dreg:$0x3] =	wrdreg s5  }
0xb9: {  	[dreg:$0x4] =	wrdreg $0xC0  }
0xba: {  	_ =	task [dreg:s22], $0x5FFFF  }
0xbb: {  	[dreg:$0x1] =	wrdreg $0xFFFFFFFF  }
0xbc: {  	[dreg:$0x0] =	wrdreg $0x60  }
0xbd: {  	[dreg:$0x2] =	wrdreg s24  }
0xbe: {  	[dreg:$0x3] =	wrdreg $0xA  }
0xbf: {  	_ =	task.clear_ibuf [dreg:s22], $0x4FFFF;
	_ =	strace $0x90000049  }
0xc0: {  	s29 =	simm.s32 $0xA;
	_ =	strace $0x8000004B  }
0xc1: {  	_ =	swait.ge [sflag:s29], $0x1  }
0xc2: {  	[sflag:s29] =	ssyncadd.s32 $0xFFFFFFFF  }
0xc3: {  	_ =	strace $0x9000004B  }
0xc4: {  	_ =	sfence  }
0xc5: {  	s30 =	sld [smem:$0x0];
	_ =	sdelay $0x2  }
0xc6: {  	s31 =	sshll.u32 s1, $0xD;
	s1 =	sshrl.u32 s1, $0x2  }
0xc7: {  	s4 =	sand.u32 $0x4000, s31;
	s1 =	sadd.s32 s1, s30  }
0xc8: {  	s0 =	sor.u32 s4, s0;
	s1 =	sshll.u32 s1, $0x11  }
0xc9: {  	s0 =	sor.u32 s1, s0  }
0xca: {  	s0 =	sadd.s32 $0x8F2B, s0  }
0xcb: {  	[sflag:s0] =	ssyncadd.remote.s32 $0x1  }
0xcc: {  	_ =	sfence.sel $0xFFFF  }
0xcd: {  	[dreg:$0x0] =	wrdreg $0xFFFFFFFF;
	(pc) =	sbr.abs _section_cstart, $3  }
0xce: {  	[dreg:$0x1] =	wrdreg $0xFFFFFFFF  }
0xcf: {  	_ =	task.clear_ibuf [dreg:s22], $0x2FFFF;
	_ =	strace $0x9FFFFFFF  }
0xd0: {  	(tm) =	ssettm $0x7FFFFFFF  }
0xd1: {  	_ =	shalt  }
tec
execute0_lowered:
.L_overlay_start_1:
0x0: {  	(tag) =	ssettag $0x1  }
0x1: {  	s0 =	srdreg.scid  }
0x2: {  	s1 =	sshll.u32 s0, $0x4  }
0x3: {  	s0 =	stileid.u32;
	s1 =	sand.u32 $0x10, s1  }
0x4: {  	s1 =	sor.u32 s0, s1  }
0x5: {  	s2 =	smin.u32 s1, $0x12  }
0x6: {  	s2 =	sadd.s32 s1, s2  }
0x7: {  	p0 =	slt.u32 s1, $0x12;
	s1 =	simm.s32 $0xA0;
	s2 =	smul.u32 $0x50, s2  }
0x8: {  	s1 =	simm.s32 @!p0 $0x50  }
0x9: {  	s1 =	sadd.s32 s1, s2  }
0xa: {  	s3 =	smin.u32 s1, $0xFA0  }
0xb: {  	s7 =	ssub.s32 s3, s2  }
0xc: {  	p0 =	sgt.s32 s7, $0x0  }
0xd: {  	s7 =	simm.s32 @!p0 $0x0  }
0xe: {  	s31 =	smul.u32 $0xCCCD, s7  }
0xf: {  	s9 =	rddreg [dreg:$0x0];
	s6 =	simm.s32 $0x1;
	s11 =	simm.s32 $0x3  }
0x10: {  	s13 =	simm.s32 $0x0;
	s12 =	simm.s32 $0x0;
	s8 =	sshrl.u32 s31, $0x16  }
0x11: {  	s4 =	sadd.s32 $0x18400, s9;
	s5 =	sadd.s32 $0x18200, s9;
	s10 =	smul.u32 $0x50, s8  }
.Ltmp0:
0x12: {  	s9 =	sadd.s32 $0x48400, s9;
	s1 =	rddreg [dreg:$0x1];
	(pc) =	sbr.rel .LBB2_1-.Ltmp0, $4  }
0x13: {  	_ =	strace $0x8000004A;
	p0 =	sne.s32 s7, s10;
	s10 =	simm.s32 $0x1  }
0x14: {  	[sflag:s6] =	ssyncpa.u1 $0x0;
	s7 =	simm.s32 $0x2;
	s10 =	simm.s32 @!p0 $0x0  }
0x15: {  	[sflag:s7] =	ssyncpa.u1 $0x0;
	p0 =	por $0x0, $0x0;
	s8 =	sadd.s32 s8, s10  }
0x16: {  	vm0 =	vmmov $0xff;
	vm1 =	vcmask $0x3F20;
	[sflag:s11] =	ssyncpa.u1 $0x0;
	s11 =	smov.u32 s2;
	s10 =	sadd.s32 $0x1, s8  }
.LBB2_6:
0x17: {  	[hbm:s17] =	stream.linear.scatter [tilespmem:s14], [sflag:$0x3], $0x400, $0x38;
	[tilespmem:$0x50A0] =	vst v63  }
.LBB2_7:
0x18: {  	s13 =	sadd.s32 $0x50, s11  }
0x19: {  	s15 =	smov.u32 s2;
	p2 =	slt.s32 s13, s3  }
0x1a: {  	s15 =	smov.u32 @p2 s13;
	p2 =	sne.s32 s12, s10  }
.Ltmp1:
0x1b: {  	p1 =	slt.u32 s12, $0x2;
	(pc) =	sbr.rel @!p2 .LBB2_8-.Ltmp1, $4  }
0x1c: {  	s14 =	simm.s32 @!p1 $0x3  }
0x1d: {  	s16 =	sadd.s32 $0x1, s12;
	_ =	swait.ge @!p1 [sflag:s14], $0x2800  }
0x1e: {  	p0 =	por !p0, !p0;
	s13 =	smov.u32 s11;
	[sflag:s14] =	ssyncset.done @!p1 $0x0  }
0x1f: {  	s12 =	smov.u32 s16;
	s11 =	smov.u32 s15;
	[sflag:s14] =	ssyncadd.s32 @!p1 $0xFFFFD800  }
.LBB2_1:
0x20: {  	p1 =	sge.u32 s12, s8  }
0x21: {  	s14 =	sxor.u32 @!p1 $0xFFFFFFFF, s12  }
0x22: {  	s14 =	sand.u32 @!p1 $0x1, s14  }
0x23: {  	s14 =	smul.u32 @!p1 $0x140, s14  }
0x24: {  	s31 =	sadd.s32 $0xFFFFFFFF, s12;
	s15 =	sshrl.u32 @!p1 s11, $0x3  }
0x25: {  	s16 =	sand.u32 @!p1 $0x7, s11;
	s15 =	sadd.s32 @!p1 s5, s15;
	s14 =	sshrl.u32 @!p1 s14, $0x2  }
0x26: {  	[tilespmem:s14], [sflag:$0x2] =	stream.linear.gather @!p1 [hbm4b:s15+s16], $0x50, $0x38;
	[tilespmem:$0x50A0] =	vst v63  }
0x27: {  	p1 =	sge.u32 s31, s8  }
.Ltmp2:
0x28: {  	_ = 	snop;
	(pc) =	sbr.rel @p1 .LBB2_7-.Ltmp2, $1  }
0x29: {  	_ =	sdelay $0x3  }
0x2a: {  	s14 =	simm.s32 $0x1  }
0x2b: {  	s14 =	simm.s32 @!p0 $0x0  }
0x2c: {  	s15 =	smul.u32 $0x140, s14  }
0x2d: {  	_ =	swait.ge [sflag:s7], $0x50  }
0x2e: {  	[sflag:s7] =	ssyncset.done $0x0;
	s16 =	sshrl.u32 s15, $0x2  }
0x2f: {  	[sflag:s7] =	ssyncadd.s32 $0xFFFFFFB0;
	s15 =	sadd.s32 $0x0, s16  }
0x30: {  	v0 =	vld.msk [tilespmem:s15+$0x0 ss:$0x1], $0xffff;
	_ =	sdelay $0x4  }
0x31: {  	v1 =	vand.u32 $0x3, v0;
	v2 =	vshll.u32 v0, $0x5  }
0x32: {  	vm2 =	veq.s32 v0, $0x80000000;
	v0 =	vmul.u32 $0x60000, v1;
	v1 =	vand.u32 $0x7FF80, v2  }
0x33: {  	v1 =	vsel vm2, $0xFFFFFF80, v1  }
0x34: {  	v0 =	vsel vm2, $0xFFFA0000, v0;
	v2 =	vand.u32 $0xFFFFFC00, v1  }
0x35: {  	v1 =	vand.u32 $0x380, v1;
	v0 =	vadd.s32 v0, v2  }
0x36: {  	v0 =	vor.u32 v1, v0  }
0x37: {  	v0 =	vshrl.u32 v0, $0x3  }
0x38: {  	s14 =	smul.u32 $0xA000, s14;
	_ =	sdelay $0x1  }
0x39: {  	s14 =	sshrl.u32 s14, $0x2  }
0x3a: {  	s14 =	sor.u32 $0xA0, s14  }
0x3b: {  	[tilespmem:s14], [sflag:$0x1] =	stream.indirect_vreg.gather [hbm:s4], $0x80, v0, vm0, $0x38;
	[tilespmem:$0x50A0] =	vst v63  }
0x3c: {  	s17 =	sadd.s32 $0x10, s16;
	s15 =	sadd.s32 $0x400, s14  }
0x3d: {  	[tilespmem:s15], [sflag:$0x1] =	stream.indirect_vreg.gather [hbm:s4], $0x80, v0, vm1, $0x38;
	[tilespmem:$0x50A0] =	vst v63  }
0x3e: {  	s18 =	simm.s32 $0x80;
	v0 =	vld.msk [tilespmem:s17+$0x0 ss:$0x1], $0xffff;
	s17 =	smov.u32 s14  }
.LBB2_3:
0x3f: {  	p1 =	sne.s32 s18, $0x100;
	_ =	sdelay $0x4  }
0x40: {  	v1 =	vand.u32 $0x3, v0;
	v2 =	vshll.u32 v0, $0x5  }
0x41: {  	vm2 =	veq.s32 v0, $0x80000000;
	v0 =	vmul.u32 $0x60000, v1;
	v1 =	vand.u32 $0x7FF80, v2  }
0x42: {  	v1 =	vsel vm2, $0xFFFFFF80, v1  }
0x43: {  	v0 =	vsel vm2, $0xFFFA0000, v0;
	v2 =	vand.u32 $0xFFFFFC00, v1  }
0x44: {  	v1 =	vand.u32 $0x380, v1;
	v0 =	vadd.s32 v0, v2  }
0x45: {  	v0 =	vor.u32 v1, v0  }
0x46: {  	v0 =	vshrl.u32 v0, $0x3;
	_ =	sdelay $0x3  }
.Ltmp3:
0x47: {  	s19 =	sshra.s32 s18, $0x2;
	s17 =	sadd.s32 $0x800, s17;
	(pc) =	sbr.rel @p1 .LBB2_3-.Ltmp3, $4  }
0x48: {  	[tilespmem:s17], [sflag:$0x1] =	stream.indirect_vreg.gather [hbm:s4], $0x80, v0, vm0, $0x38;
	[tilespmem:$0x50A0] =	vst v63  }
0x49: {  	s19 =	sadd.s32 s19, s16;
	s20 =	sadd.s32 $0x400, s17  }
0x4a: {  	[tilespmem:s20], [sflag:$0x1] =	stream.indirect_vreg.gather [hbm:s4], $0x80, v0, vm1, $0x38;
	[tilespmem:$0x50A0] =	vst v63  }
0x4b: {  	s18 =	sadd.s32 $0x40, s18;
	v0 =	vld.msk [tilespmem:s19+$0x0 ss:$0x1], $0xffff  }
0x4c: {  	_ =	sdelay $0x3  }
0x4d: {  	v1 =	vand.u32 $0x3, v0;
	v2 =	vshll.u32 v0, $0x5  }
0x4e: {  	vm2 =	veq.s32 v0, $0x80000000;
	v61 =	vmul.u32 $0x60000, v1;
	v62 =	vand.u32 $0x7FF80, v2  }
0x4f: {  	v1 =	vsel vm2, $0xFFFFFF80, v62  }
0x50: {  	v0 =	vsel vm2, $0xFFFA0000, v61;
	v63 =	vand.u32 $0xFFFFFC00, v1  }
0x51: {  	v1 =	vand.u32 $0x380, v1;
	v0 =	vadd.s32 v0, v63  }
0x52: {  	v0 =	vor.u32 v1, v0  }
0x53: {  	v0 =	vshrl.u32 v0, $0x3;
	_ =	sdelay $0x3  }
0x54: {  	s16 =	sadd.s32 $0x800, s17  }
0x55: {  	[tilespmem:s16], [sflag:$0x1] =	stream.indirect_vreg.gather [hbm:s4], $0x80, v0, vm0, $0x38;
	[tilespmem:$0x50A0] =	vst v63  }
0x56: {  	s16 =	sadd.s32 $0x400, s16  }
0x57: {  	[tilespmem:s16], [sflag:$0x1] =	stream.indirect_vreg.gather [hbm:s4], $0x80, v0, vm1, $0x38;
	[tilespmem:$0x50A0] =	vst v63  }
0x58: {  	s13 =	sshll.u32 s13, $0x4;
	_ =	swait.ge [sflag:s6], $0x2800  }
0x59: {  	s13 =	sadd.s32 s13, s9;
	[sflag:s6] =	ssyncset.done $0x0  }
0x5a: {  	s17 =	sadd.s32 $0x0, s13;
	s16 =	simm.s32 $0x80;
	[sflag:s6] =	ssyncadd.s32 $0xFFFFD800  }
.LBB2_5:
0x5b: {  	[hbm:s17] =	stream.linear.scatter [tilespmem:s14], [sflag:$0x3], $0x400, $0x38;
	[tilespmem:$0x50A0] =	vst v63  }
0x5c: {  	s17 =	smov.u32 s16;
	s14 =	smov.u32 s15;
	p1 =	sne.s32 s16, $0x480  }
.Ltmp4:
0x5d: {  	s16 =	sadd.s32 $0x80, s16;
	(pc) =	sbr.rel @p1 .LBB2_5-.Ltmp4, $2  }
0x5e: {  	_ =	sdelay $0x2  }
0x5f: {  	s15 =	sadd.s32 $0x400, s15;
	s17 =	sadd.s32 s17, s13  }
.Ltmp5:
0x60: {  	_ = 	snop;
	(pc) =	sbr.rel .LBB2_6-.Ltmp5, $1  }
0x61: {  	_ =	sdelay $0x3  }
.LBB2_8:
0x62: {  	_ =	sfence.sel $0x180000  }
0x63: {  	s2 =	simm.s32 $0x2;
	[bflag:$0x0] =	sbarrier.arrive $0xFFFF  }
0x64: {  	s30 =	simm.s32 $0x3;
	[sflag:s2] =	ssyncpa.u1 $0x1  }
0x65: {  	s31 =	simm.s32 $0x1;
	[sflag:s30] =	ssyncpa.u1 $0x1  }
0x66: {  	[sflag:s31] =	ssyncpa.u1 $0x1  }
0x67: {  	p0 =	sne.s32 s0, $0x0;
	_ =	strace $0x9000004A  }
0x68: {  	s0 =	sadd.s32 @!p0 $0x100000, s1;
	[bflag:$0x2] =	sbarrier.arrive $0xFFFF  }
0x69: {  	[sflag:s0] =	ssyncadd.tile.s32 @!p0 $0x1;
	_ =	shalt  }
.Lfunc_end2:
_tile_overlayer_lowered:
.L_overlay_start_2:
0x6a: {  	(tag) =	ssettag $0x2  }
0x6b: {  	s0 =	rddreg [dreg:$0x0];
	s2 =	stileid.u32  }
0x6c: {  	s1 =	rddreg [dreg:$0x1];
	p0 =	sne.s32 s2, $0x0  }
0x6d: {  	s3 =	rddreg [dreg:$0x2];
	[bflag:$0x3] =	sbarrier.arrive $0xFFFF;
	s2 =	simm.s32 @!p0 $0x1C01  }
0x6e: {  	[timem:s3], [sflag:s2] =	dma.local @!p0 [hbm:s0], s1  }
0x6f: {  	s0 =	simm.s32 @!p0 $0x1  }
0x70: {  	_ =	swait.ge @!p0 [sflag:s0], s1  }
0x71: {  	s1 =	ssub.s32 @!p0 $0x0, s1;
	[sflag:s0] =	ssyncset.done @!p0 $0x0  }
0x72: {  	[sflag:s0] =	ssyncadd.s32 @!p0 s1  }
0x73: {  	[bflag:$0x3] =	sbarrier.arrive $0xFFFF  }
0x74: {  	_ =	shalt  }

// kernel: gather_offload_async_start.3
scs
__scs_entry_jumppad:
0x0: {  	(pc) =	sbr.rel $0x88, $3  }
0x1: {  	(tag) =	ssettag $0x0;
	lr =	simm.s32 $0x1  }
0x2: {  	[smem:$0x3F9F] =	sst lr;
	_ =	strace $0xD0000000  }
0x3: {  	_ = 	snop  }
0x4: {  	_ = 	snop  }
0x5: {  	_ = 	snop  }
0x6: {  	_ = 	snop  }
0x7: {  	_ = 	snop  }
__scs_overlays_trampoline_lowered:
0x8: {  	[smem:$0x3FAE] =	sst s0  }
0x9: {  	[smem:$0x3FAF] =	sst s1  }
0xa: {  	[smem:$0x3FB0] =	sst s2  }
0xb: {  	[smem:$0x3FB1] =	sst s3  }
0xc: {  	[smem:$0x3FB2] =	sst s4  }
0xd: {  	[smem:$0x3FB3] =	sst s5  }
0xe: {  	[smem:$0x3FB4] =	sst s6  }
0xf: {  	[smem:$0x3FB5] =	sst s7  }
0x10: {  	[smem:$0x3FB6] =	sst s8  }
0x11: {  	[smem:$0x3FB7] =	sst s9;
	s0 =	simm.s32 @!p0 $0x0  }
0x12: {  	s1 =	sld [smem:$0x3F9D];
	s0 =	simm.s32 @p0 $0x1  }
0x13: {  	[smem:$0x3FB8] =	sst s0;
	s0 =	simm.s32 @!p1 $0x0  }
0x14: {  	s2 =	sld [smem:$0x3F9C];
	s0 =	simm.s32 @p1 $0x1  }
0x15: {  	[smem:$0x3FB9] =	sst s0;
	s0 =	simm.s32 @!p2 $0x0  }
0x16: {  	s3 =	sld [smem:$0x3FDB];
	s0 =	simm.s32 @p2 $0x1  }
0x17: {  	s4 =	simm.s32 $0x1BF5;
	[smem:$0x3FBB] =	sst s0  }
0x18: {  	s0 =	sld [smem:$0x3F9E];
	_ =	swait.ge [sflag:s4], $0x0  }
0x19: {  	s7 =	sld [smem:$0x3F9F]  }
0x1a: {  	s8 =	sadd.s32 $0xFFFFE003, lr  }
0x1b: {  	s9 =	sadd.s32 $0xFFFFFEF7, lr;
	s5 =	simm.s32 $0xFFFFFFFF;
	p2 =	slt.u32 s8, $0xFFFFF086  }
0x1c: {  	p1 =	slt.u32 s9, $0xF7A;
	s5 =	simm.s32 @!p2 $0x0  }
0x1d: {  	s5 =	simm.s32 @p1 $0x1;
	p0 =	seq.s32 s7, s2  }
0x1e: {  	s7 =	smul.u32 @!p0 $0xF7A, s2;
	p2 =	seq.s32 @!p0 s5, $0x0  }
0x1f: {  	s9 =	smul.u32 $0xF7A, s1;
	s8 =	simm.s32 @!p0 $0x1BF5;
	p2 =	por !p2, p0  }
0x20: {  	[sflag:s8] =	ssyncset.s32 @!p0 $0xFFFFF086;
	s6 =	sadd.s32 @!p0 s3, s7;
	s7 =	simm.s32 @!p0 $0x108  }
0x21: {  	s3 =	sadd.s32 s3, s9;
	s6 =	sadd.s32 @!p0 $0x88, s6;
	s7 =	simm.s32 @p2 $0x1082  }
0x22: {  	[simem:s7], [sflag:s8] =	dma.local @!p0 [hbm:s6], $0xF7A  }
0x23: {  	s9 =	sor.u32 $0xD0000000, s2;
	s6 =	simm.s32 $0x108;
	_ =	swait.ge @!p0 [sflag:s8], $0x0  }
0x24: {  	s3 =	sadd.s32 $0x88, s3;
	s6 =	simm.s32 @!p1 $0x1082;
	[sflag:s4] =	ssyncset.s32 $0xFFFFF086  }
0x25: {  	[simem:s6], [sflag:s4] =	dma.local [hbm:s3], $0xF7A  }
0x26: {  	[smem:$0x3F9F] =	sst s1;
	(tag) =	ssettag s2;
	_ =	strace s9  }
0x27: {  	s1 =	sld [smem:$0x3FAF]  }
0x28: {  	s2 =	sld [smem:$0x3FB0]  }
0x29: {  	s4 =	sld [smem:$0x3FB2]  }
0x2a: {  	p0 =	seq.s32 s5, $0x0;
	s5 =	sld [smem:$0x3FB3]  }
0x2b: {  	s6 =	sld [smem:$0x3FB4]  }
0x2c: {  	s7 =	sld [smem:$0x3FB5]  }
0x2d: {  	s3 =	simm.s32 $0x108;
	s8 =	sld [smem:$0x3FB6]  }
0x2e: {  	s3 =	simm.s32 @!p0 $0x1082;
	s9 =	sld [smem:$0x3FB7]  }
0x2f: {  	lr =	sadd.s32 s0, s3;
	s0 =	sld [smem:$0x3FAE]  }
0x30: {  	s3 =	sld [smem:$0x3FB1]  }
0x31: {  	[smem:$0x3FBA] =	sst s10  }
0x32: {  	s10 =	sld [smem:$0x3FB8];
	_ =	sdelay $0x3  }
0x33: {  	p0 =	seq.s32 s10, $0x1;
	s10 =	sld [smem:$0x3FBA];
	_ =	sdelay $0x3  }
0x34: {  	[smem:$0x3FBA] =	sst s10  }
0x35: {  	s10 =	sld [smem:$0x3FB9];
	_ =	sdelay $0x3  }
0x36: {  	p1 =	seq.s32 s10, $0x1;
	s10 =	sld [smem:$0x3FBA];
	_ =	sdelay $0x3  }
0x37: {  	[smem:$0x3FBA] =	sst s10  }
0x38: {  	s10 =	sld [smem:$0x3FBB]  }
0x39: {  	_ = 	snop;
	(pc) =	sbr.ind lr, $3  }
0x3a: {  	_ = 	snop  }
0x3b: {  	_ = 	snop  }
0x3c: {  	p2 =	seq.s32 s10, $0x1;
	s10 =	sld [smem:$0x3FBA]  }
0x3d: {  	_ =	shalt  }
0x3e: {  	_ =	shalt  }
0x3f: {  	_ =	shalt  }
0x40: {  	_ =	shalt  }
0x41: {  	_ =	shalt  }
0x42: {  	_ =	shalt  }
0x43: {  	_ =	shalt  }
0x44: {  	_ =	shalt  }
0x45: {  	_ =	shalt  }
0x46: {  	_ =	shalt  }
0x47: {  	_ =	shalt  }
0x48: {  	_ =	shalt  }
0x49: {  	_ =	shalt  }
0x4a: {  	_ =	shalt  }
0x4b: {  	_ =	shalt  }
0x4c: {  	_ =	shalt  }
0x4d: {  	_ =	shalt  }
0x4e: {  	_ =	shalt  }
0x4f: {  	_ =	shalt  }
0x50: {  	_ =	shalt  }
0x51: {  	_ =	shalt  }
0x52: {  	_ =	shalt  }
0x53: {  	_ =	shalt  }
0x54: {  	_ =	shalt  }
0x55: {  	_ =	shalt  }
0x56: {  	_ =	shalt  }
0x57: {  	_ =	shalt  }
0x58: {  	_ =	shalt  }
0x59: {  	_ =	shalt  }
0x5a: {  	_ =	shalt  }
0x5b: {  	_ =	shalt  }
0x5c: {  	_ =	shalt  }
0x5d: {  	_ =	shalt  }
0x5e: {  	_ =	shalt  }
0x5f: {  	_ =	shalt  }
0x60: {  	_ =	shalt  }
0x61: {  	_ =	shalt  }
0x62: {  	_ =	shalt  }
0x63: {  	_ =	shalt  }
0x64: {  	_ =	shalt  }
0x65: {  	_ =	shalt  }
0x66: {  	_ =	shalt  }
0x67: {  	_ =	shalt  }
0x68: {  	_ =	shalt  }
0x69: {  	_ =	shalt  }
0x6a: {  	_ =	shalt  }
0x6b: {  	_ =	shalt  }
0x6c: {  	_ =	shalt  }
0x6d: {  	_ =	shalt  }
0x6e: {  	_ =	shalt  }
0x6f: {  	_ =	shalt  }
0x70: {  	_ =	shalt  }
0x71: {  	_ =	shalt  }
0x72: {  	_ =	shalt  }
0x73: {  	_ =	shalt  }
0x74: {  	_ =	shalt  }
0x75: {  	_ =	shalt  }
0x76: {  	_ =	shalt  }
0x77: {  	_ =	shalt  }
0x78: {  	_ =	shalt  }
0x79: {  	_ =	shalt  }
0x7a: {  	_ =	shalt  }
0x7b: {  	_ =	shalt  }
0x7c: {  	_ =	shalt  }
0x7d: {  	_ =	shalt  }
0x7e: {  	_ =	shalt  }
0x7f: {  	_ =	shalt  }
0x80: {  	_ =	shalt  }
0x81: {  	_ =	shalt  }
0x82: {  	_ =	shalt  }
0x83: {  	_ =	shalt  }
0x84: {  	_ =	shalt  }
0x85: {  	_ =	shalt  }
0x86: {  	_ =	shalt  }
0x87: {  	_ =	shalt  }
.Lfunc_end0:
.L_simem_size_0:
called_computation.3_lowered:
.L_overlay_start_0:
0x88: {  	s2 =	sld [smem:$0x3FD9]  }
0x89: {  	s3 =	sld [smem:$0x3FFE];
	_ =	sdelay $0x1  }
0x8a: {  	s1 =	srdreg.scid  }
0x8b: {  	s0 =	sand.u32 $0x1, s1  }
0x8c: {  	s16 =	sshll.u32 s0, $0xA;
	s2 =	sadd.s32 s3, s2  }
0x8d: {  	s2 =	sadd.s32 s2, s16  }
0x8e: {  	[smem:$0x3FC6] =	sst s2  }
0x8f: {  	_ = 	snop  }
0x90: {  	(tm) =	ssettm $0x1  }
0x91: {  	s17 =	sld [smem:$0x3FFB];
	_ =	sdelay $0x3  }
0x92: {  	_ =	strace s17  }
0x93: {  	s2 =	sld [smem:$0x3FFC];
	_ =	sdelay $0x3  }
0x94: {  	_ =	strace s2  }
0x95: {  	s2 =	sld [smem:$0x3FFD];
	_ =	sdelay $0x3  }
0x96: {  	_ =	strace s2  }
0x97: {  	_ =	strace $0x8FFFFFFF  }
0x98: {  	s18 =	sld [smem:$0x3FDB];
	_ =	sdelay $0x1  }
0x99: {  	s19 =	simm.s32 $_scs_section_size  }
0x9a: {  	s4 =	simm.s32 $_size__tile_overlayer_lowered;
	s5 =	simm.s32 $_tile_overlayer_lowered  }
0x9b: {  	s22 =	simm.s32 $0x1BFF;
	s21 =	sshll.u32 s5, $0x1;
	s2 =	sadd.s32 s19, s18  }
0x9c: {  	s6 =	simm.s32 $0x0;
	s20 =	sshll.u32 s4, $0x1;
	s4 =	sadd.s32 s21, s2  }
0x9d: {  	[timem:s6], [sflag:s22] =	dma.local [hbm:s4], s20  }
0x9e: {  	_ =	swait.ge [sflag:s22], s20  }
0x9f: {  	s3 =	ssub.s32 $0x0, s20;
	[sflag:s22] =	ssyncset.done $0x0  }
0xa0: {  	[sflag:s22] =	ssyncadd.s32 s3;
	_ =	sdelay $0x1  }
0xa1: {  	s23 =	simm.s32 $0x1B8B  }
0xa2: {  	_ =	swait.ge [sflag:s23], $0x1  }
0xa3: {  	[sflag:s23] =	ssyncset.done $0x0  }
0xa4: {  	s25 =	simm.s32 $0x1B8E;
	s24 =	sld [smem:$0x3FFE];
	[sflag:s23] =	ssyncadd.s32 $0xFFFFFFFF  }
0xa5: {  	s26 =	simm.s32 $execute0_lowered;
	[smem:$0x3FD2] =	sst s25  }
0xa6: {  	s4 =	sshll.u32 s26, $0x1;
	_ =	strace $0x80000046;
	[dreg:$0x1] =	wrdreg $0xFFFFFFFF  }
0xa7: {  	s28 =	simm.s32 $_size_execute0_lowered;
	s2 =	sadd.s32 s2, s4;
	[dreg:$0x0] =	wrdreg $0x0  }
0xa8: {  	s4 =	sshll.u32 s28, $0x1;
	[dreg:$0x2] =	wrdreg s2  }
0xa9: {  	[dreg:$0x3] =	wrdreg s4  }
0xaa: {  	[dreg:$0x4] =	wrdreg $0xC0  }
0xab: {  	_ =	task [dreg:s6], $0x5FFFF  }
0xac: {  	[dreg:$0x1] =	wrdreg $0xFFFFFFFF  }
0xad: {  	[dreg:$0x0] =	wrdreg $0x60  }
0xae: {  	[dreg:$0x2] =	wrdreg s24  }
0xaf: {  	[dreg:$0x3] =	wrdreg $0xB  }
0xb0: {  	_ =	task.clear_ibuf [dreg:s6], $0x4FFFF;
	_ =	strace $0x90000046  }
0xb1: {  	s29 =	simm.s32 $0xB;
	_ =	strace $0x80000048  }
0xb2: {  	_ =	swait.ge [sflag:s29], $0x1  }
0xb3: {  	[sflag:s29] =	ssyncadd.s32 $0xFFFFFFFF  }
0xb4: {  	_ =	strace $0x90000048  }
0xb5: {  	_ =	sfence  }
0xb6: {  	s30 =	sld [smem:$0x0];
	_ =	sdelay $0x2  }
0xb7: {  	s31 =	sshll.u32 s1, $0xD;
	s1 =	sshrl.u32 s1, $0x2  }
0xb8: {  	s3 =	sand.u32 $0x4000, s31;
	s1 =	sadd.s32 s1, s30  }
0xb9: {  	s0 =	sor.u32 s3, s0;
	s1 =	sshll.u32 s1, $0x11  }
0xba: {  	s0 =	sor.u32 s1, s0  }
0xbb: {  	s0 =	sadd.s32 $0x8F2B, s0  }
0xbc: {  	[sflag:s0] =	ssyncadd.remote.s32 $0x1  }
0xbd: {  	_ =	sfence.sel $0xFFFF  }
0xbe: {  	[dreg:$0x0] =	wrdreg $0xFFFFFFFF;
	(pc) =	sbr.abs _section_cstart, $3  }
0xbf: {  	[dreg:$0x1] =	wrdreg $0xFFFFFFFF  }
0xc0: {  	_ =	task.clear_ibuf [dreg:s6], $0x2FFFF;
	_ =	strace $0x9FFFFFFF  }
0xc1: {  	(tm) =	ssettm $0x7FFFFFFF  }
tec
execute0_lowered:
.L_overlay_start_1:
0x0: {  	(tag) =	ssettag $0x1  }
0x1: {  	s0 =	srdreg.scid;
	s2 =	rddreg [dreg:$0x0]  }
0x2: {  	s1 =	stileid.u32;
	s5 =	simm.s32 $0x2;
	s9 =	simm.s32 $0x3  }
0x3: {  	s3 =	sshll.u32 s0, $0x4;
	s0 =	rddreg [dreg:$0x1];
	_ =	strace $0x80000047  }
.Ltmp0:
0x4: {  	s4 =	sand.u32 $0x10, s3;
	s3 =	simm.s32 $0x1;
	(pc) =	sbr.rel .LBB2_1-.Ltmp0, $4  }
0x5: {  	s12 =	simm.s32 $0x0;
	s4 =	sor.u32 s1, s4;
	[sflag:s3] =	ssyncpa.u1 $0x0  }
0x6: {  	s10 =	simm.s32 $0x0;
	s4 =	smul.u32 $0x60, s4;
	[sflag:s5] =	ssyncpa.u1 $0x0  }
0x7: {  	s6 =	sadd.s32 $0x200, s2;
	s7 =	sadd.s32 $0xC200, s2;
	[sflag:s9] =	ssyncpa.u1 $0x0  }
0x8: {  	vm0 =	vmmov $0xff;
	vm1 =	vcmask $0x3F20;
	s9 =	simm.s32 $0x60;
	s8 =	sadd.s32 $0x60, s4;
	s11 =	smov.u32 s4  }
.LBB2_10:
0x9: {  	s12 =	sshrl.u32 s11, $0x3  }
0xa: {  	s13 =	sand.u32 $0x7, s11;
	s12 =	sadd.s32 s2, s12  }
0xb: {  	[tilespmem:s9], [sflag:$0x2] =	stream.linear.gather [hbm4b:s12+s13], $0x60, $0x38;
	[tilespmem:$0x60C0] =	vst v63  }
.LBB2_8:
0xc: {  	s12 =	sadd.s32 $0x60, s11  }
0xd: {  	s13 =	smov.u32 s4;
	p0 =	slt.s32 s12, s8  }
0xe: {  	s13 =	smov.u32 @p0 s12  }
0xf: {  	s10 =	sadd.s32 $0x1, s10;
	s12 =	smov.u32 s11;
	s11 =	smov.u32 s13  }
.LBB2_1:
0x10: {  	p0 =	seq.s32 s10, $0x0  }
.Ltmp1:
0x11: {  	_ = 	snop;
	(pc) =	sbr.rel @p0 .LBB2_10-.Ltmp1, $1  }
0x12: {  	_ =	sdelay $0x3  }
0x13: {  	p0 =	seq.s32 s10, $0x1  }
.Ltmp2:
0x14: {  	_ = 	snop;
	(pc) =	sbr.rel @!p0 .LBB2_9-.Ltmp2, $1  }
0x15: {  	_ =	sdelay $0x3  }
0x16: {  	_ =	swait.ge [sflag:s5], $0x60  }
0x17: {  	[sflag:s5] =	ssyncset.done $0x0  }
0x18: {  	s13 =	simm.s32 $0x0;
	[sflag:s5] =	ssyncadd.s32 $0xFFFFFFA0  }
0x19: {  	v0 =	vld.msk [tilespmem:s13+$0x60 ss:$0x1], $0xffff;
	_ =	sdelay $0x4  }
0x1a: {  	v1 =	vand.u32 $0x3, v0;
	v2 =	vshll.u32 v0, $0x5  }
0x1b: {  	vm2 =	veq.s32 v0, $0x80000000;
	v0 =	vmul.u32 $0x18000, v1;
	v1 =	vand.u32 $0x1FF80, v2  }
0x1c: {  	v1 =	vsel vm2, $0xFFFFFF80, v1  }
0x1d: {  	v0 =	vsel vm2, $0xFFFE8000, v0;
	v2 =	vand.u32 $0xFFFFFC00, v1  }
0x1e: {  	v1 =	vand.u32 $0x380, v1;
	v0 =	vadd.s32 v0, v2  }
0x1f: {  	v0 =	vor.u32 v1, v0  }
0x20: {  	v0 =	vshrl.u32 v0, $0x3;
	_ =	sdelay $0x3  }
0x21: {  	s13 =	simm.s32 $0x30C0  }
0x22: {  	[tilespmem:s13], [sflag:$0x1] =	stream.indirect_vreg.gather [hbm:s6], $0x80, v0, vm0, $0x38;
	[tilespmem:$0x60C0] =	vst v63  }
0x23: {  	s14 =	simm.s32 $0x34C0;
	s31 =	simm.s32 $0x10  }
0x24: {  	[tilespmem:s14], [sflag:$0x1] =	stream.indirect_vreg.gather [hbm:s6], $0x80, v0, vm1, $0x38;
	[tilespmem:$0x60C0] =	vst v63  }
0x25: {  	s14 =	simm.s32 $0x80;
	v0 =	vld.msk [tilespmem:s31+$0x60 ss:$0x1], $0xffff  }
.LBB2_4:
0x26: {  	p0 =	sne.s32 s14, $0x140;
	_ =	sdelay $0x4  }
0x27: {  	v1 =	vand.u32 $0x3, v0;
	v2 =	vshll.u32 v0, $0x5  }
0x28: {  	vm2 =	veq.s32 v0, $0x80000000;
	v0 =	vmul.u32 $0x18000, v1;
	v1 =	vand.u32 $0x1FF80, v2  }
0x29: {  	v1 =	vsel vm2, $0xFFFFFF80, v1  }
0x2a: {  	v0 =	vsel vm2, $0xFFFE8000, v0;
	v2 =	vand.u32 $0xFFFFFC00, v1  }
0x2b: {  	v1 =	vand.u32 $0x380, v1;
	v0 =	vadd.s32 v0, v2  }
0x2c: {  	v0 =	vor.u32 v1, v0  }
0x2d: {  	v0 =	vshrl.u32 v0, $0x3;
	_ =	sdelay $0x3  }
.Ltmp3:
0x2e: {  	s13 =	sadd.s32 $0x800, s13;
	(pc) =	sbr.rel @p0 .LBB2_4-.Ltmp3, $4  }
0x2f: {  	[tilespmem:s13], [sflag:$0x1] =	stream.indirect_vreg.gather [hbm:s6], $0x80, v0, vm0, $0x38;
	[tilespmem:$0x60C0] =	vst v63  }
0x30: {  	s15 =	sshra.s32 s14, $0x2;
	s16 =	sadd.s32 $0x400, s13  }
0x31: {  	[tilespmem:s16], [sflag:$0x1] =	stream.indirect_vreg.gather [hbm:s6], $0x80, v0, vm1, $0x38;
	[tilespmem:$0x60C0] =	vst v63  }
0x32: {  	s14 =	sadd.s32 $0x40, s14;
	v0 =	vld.msk [tilespmem:s15+$0x60 ss:$0x1], $0xffff  }
0x33: {  	_ =	sdelay $0x3  }
0x34: {  	v1 =	vand.u32 $0x3, v0;
	v2 =	vshll.u32 v0, $0x5  }
0x35: {  	vm2 =	veq.s32 v0, $0x80000000;
	v61 =	vmul.u32 $0x18000, v1;
	v62 =	vand.u32 $0x1FF80, v2  }
0x36: {  	v1 =	vsel vm2, $0xFFFFFF80, v62  }
0x37: {  	v0 =	vsel vm2, $0xFFFE8000, v61;
	v63 =	vand.u32 $0xFFFFFC00, v1  }
0x38: {  	v1 =	vand.u32 $0x380, v1;
	v0 =	vadd.s32 v0, v63  }
0x39: {  	v0 =	vor.u32 v1, v0  }
0x3a: {  	v0 =	vshrl.u32 v0, $0x3;
	_ =	sdelay $0x3  }
0x3b: {  	s13 =	sadd.s32 $0x800, s13  }
0x3c: {  	[tilespmem:s13], [sflag:$0x1] =	stream.indirect_vreg.gather [hbm:s6], $0x80, v0, vm0, $0x38;
	[tilespmem:$0x60C0] =	vst v63  }
0x3d: {  	s13 =	sadd.s32 $0x400, s13  }
0x3e: {  	[tilespmem:s13], [sflag:$0x1] =	stream.indirect_vreg.gather [hbm:s6], $0x80, v0, vm1, $0x38;
	[tilespmem:$0x60C0] =	vst v63  }
0x3f: {  	s12 =	sshll.u32 s12, $0x4;
	s14 =	simm.s32 $0x80;
	_ =	swait.ge [sflag:s3], $0x3000  }
0x40: {  	s15 =	simm.s32 $0x34C0;
	s12 =	sadd.s32 s12, s7;
	[sflag:s3] =	ssyncset.done $0x0  }
0x41: {  	s16 =	sadd.s32 $0x0, s12;
	s13 =	simm.s32 $0x30C0;
	[sflag:s3] =	ssyncadd.s32 $0xFFFFD000  }
.LBB2_6:
0x42: {  	[hbm:s16] =	stream.linear.scatter [tilespmem:s13], [sflag:$0x3], $0x400, $0x38;
	[tilespmem:$0x60C0] =	vst v63  }
0x43: {  	s16 =	smov.u32 s14;
	s13 =	smov.u32 s15;
	p0 =	seq.s32 s14, $0x580  }
.Ltmp4:
0x44: {  	s14 =	sadd.s32 $0x80, s14;
	(pc) =	sbr.rel @!p0 .LBB2_6-.Ltmp4, $2  }
0x45: {  	_ =	sdelay $0x2  }
0x46: {  	s15 =	sadd.s32 $0x400, s15;
	s16 =	sadd.s32 s16, s12  }
.Ltmp5:
0x47: {  	(pc) =	sbr.rel .LBB2_8-.Ltmp5, $2  }
0x48: {  	_ =	sdelay $0x2  }
0x49: {  	[hbm:s16] =	stream.linear.scatter [tilespmem:s13], [sflag:$0x3], $0x400, $0x38;
	[tilespmem:$0x60C0] =	vst v63  }
.LBB2_9:
0x4a: {  	s2 =	simm.s32 $0x3  }
0x4b: {  	_ =	swait.ge [sflag:s2], $0x3000  }
0x4c: {  	[sflag:s2] =	ssyncset.done $0x0  }
0x4d: {  	[sflag:s2] =	ssyncadd.s32 $0xFFFFD000  }
0x4e: {  	_ =	sfence.sel $0x180000  }
0x4f: {  	s3 =	simm.s32 $0x2;
	[bflag:$0x0] =	sbarrier.arrive $0xFFFF  }
0x50: {  	[sflag:s3] =	ssyncpa.u1 $0x1  }
0x51: {  	s31 =	simm.s32 $0x1;
	[sflag:s2] =	ssyncpa.u1 $0x1  }
0x52: {  	[sflag:s31] =	ssyncpa.u1 $0x1  }
0x53: {  	p0 =	sne.s32 s1, $0x0;
	_ =	strace $0x90000047  }
0x54: {  	s0 =	sadd.s32 @!p0 $0x100000, s0;
	[bflag:$0x2] =	sbarrier.arrive $0xFFFF  }
0x55: {  	[sflag:s0] =	ssyncadd.tile.s32 @!p0 $0x1;
	_ =	shalt  }
.Lfunc_end2:
_tile_overlayer_lowered:
.L_overlay_start_2:
0x56: {  	(tag) =	ssettag $0x2  }
0x57: {  	s0 =	rddreg [dreg:$0x0];
	s2 =	stileid.u32  }
0x58: {  	s1 =	rddreg [dreg:$0x1];
	p0 =	sne.s32 s2, $0x0  }
0x59: {  	s3 =	rddreg [dreg:$0x2];
	[bflag:$0x3] =	sbarrier.arrive $0xFFFF;
	s2 =	simm.s32 @!p0 $0x1C01  }
0x5a: {  	[timem:s3], [sflag:s2] =	dma.local @!p0 [hbm:s0], s1  }
0x5b: {  	s0 =	simm.s32 @!p0 $0x1  }
0x5c: {  	_ =	swait.ge @!p0 [sflag:s0], s1  }
0x5d: {  	s1 =	ssub.s32 @!p0 $0x0, s1;
	[sflag:s0] =	ssyncset.done @!p0 $0x0  }
0x5e: {  	[sflag:s0] =	ssyncadd.s32 @!p0 s1  }
0x5f: {  	[bflag:$0x3] =	sbarrier.arrive $0xFFFF  }
0x60: {  	_ =	shalt  }

// kernel: gather_offload_async_start.4
scs
__scs_entry_jumppad:
0x0: {  	(pc) =	sbr.rel $0x88, $3  }
0x1: {  	(tag) =	ssettag $0x0;
	lr =	simm.s32 $0x1  }
0x2: {  	[smem:$0x3F9F] =	sst lr;
	_ =	strace $0xD0000000  }
0x3: {  	_ = 	snop  }
0x4: {  	_ = 	snop  }
0x5: {  	_ = 	snop  }
0x6: {  	_ = 	snop  }
0x7: {  	_ = 	snop  }
__scs_overlays_trampoline_lowered:
0x8: {  	[smem:$0x3FAE] =	sst s0  }
0x9: {  	[smem:$0x3FAF] =	sst s1  }
0xa: {  	[smem:$0x3FB0] =	sst s2  }
0xb: {  	[smem:$0x3FB1] =	sst s3  }
0xc: {  	[smem:$0x3FB2] =	sst s4  }
0xd: {  	[smem:$0x3FB3] =	sst s5  }
0xe: {  	[smem:$0x3FB4] =	sst s6  }
0xf: {  	[smem:$0x3FB5] =	sst s7  }
0x10: {  	[smem:$0x3FB6] =	sst s8  }
0x11: {  	[smem:$0x3FB7] =	sst s9;
	s0 =	simm.s32 @!p0 $0x0  }
0x12: {  	s1 =	sld [smem:$0x3F9D];
	s0 =	simm.s32 @p0 $0x1  }
0x13: {  	[smem:$0x3FB8] =	sst s0;
	s0 =	simm.s32 @!p1 $0x0  }
0x14: {  	s2 =	sld [smem:$0x3F9C];
	s0 =	simm.s32 @p1 $0x1  }
0x15: {  	[smem:$0x3FB9] =	sst s0;
	s0 =	simm.s32 @!p2 $0x0  }
0x16: {  	s3 =	sld [smem:$0x3FDB];
	s0 =	simm.s32 @p2 $0x1  }
0x17: {  	s4 =	simm.s32 $0x1BF5;
	[smem:$0x3FBB] =	sst s0  }
0x18: {  	s0 =	sld [smem:$0x3F9E];
	_ =	swait.ge [sflag:s4], $0x0  }
0x19: {  	s7 =	sld [smem:$0x3F9F]  }
0x1a: {  	s8 =	sadd.s32 $0xFFFFE003, lr  }
0x1b: {  	s9 =	sadd.s32 $0xFFFFFEF7, lr;
	s5 =	simm.s32 $0xFFFFFFFF;
	p2 =	slt.u32 s8, $0xFFFFF086  }
0x1c: {  	p1 =	slt.u32 s9, $0xF7A;
	s5 =	simm.s32 @!p2 $0x0  }
0x1d: {  	s5 =	simm.s32 @p1 $0x1;
	p0 =	seq.s32 s7, s2  }
0x1e: {  	s7 =	smul.u32 @!p0 $0xF7A, s2;
	p2 =	seq.s32 @!p0 s5, $0x0  }
0x1f: {  	s9 =	smul.u32 $0xF7A, s1;
	s8 =	simm.s32 @!p0 $0x1BF5;
	p2 =	por !p2, p0  }
0x20: {  	[sflag:s8] =	ssyncset.s32 @!p0 $0xFFFFF086;
	s6 =	sadd.s32 @!p0 s3, s7;
	s7 =	simm.s32 @!p0 $0x108  }
0x21: {  	s3 =	sadd.s32 s3, s9;
	s6 =	sadd.s32 @!p0 $0x88, s6;
	s7 =	simm.s32 @p2 $0x1082  }
0x22: {  	[simem:s7], [sflag:s8] =	dma.local @!p0 [hbm:s6], $0xF7A  }
0x23: {  	s9 =	sor.u32 $0xD0000000, s2;
	s6 =	simm.s32 $0x108;
	_ =	swait.ge @!p0 [sflag:s8], $0x0  }
0x24: {  	s3 =	sadd.s32 $0x88, s3;
	s6 =	simm.s32 @!p1 $0x1082;
	[sflag:s4] =	ssyncset.s32 $0xFFFFF086  }
0x25: {  	[simem:s6], [sflag:s4] =	dma.local [hbm:s3], $0xF7A  }
0x26: {  	[smem:$0x3F9F] =	sst s1;
	(tag) =	ssettag s2;
	_ =	strace s9  }
0x27: {  	s1 =	sld [smem:$0x3FAF]  }
0x28: {  	s2 =	sld [smem:$0x3FB0]  }
0x29: {  	s4 =	sld [smem:$0x3FB2]  }
0x2a: {  	p0 =	seq.s32 s5, $0x0;
	s5 =	sld [smem:$0x3FB3]  }
0x2b: {  	s6 =	sld [smem:$0x3FB4]  }
0x2c: {  	s7 =	sld [smem:$0x3FB5]  }
0x2d: {  	s3 =	simm.s32 $0x108;
	s8 =	sld [smem:$0x3FB6]  }
0x2e: {  	s3 =	simm.s32 @!p0 $0x1082;
	s9 =	sld [smem:$0x3FB7]  }
0x2f: {  	lr =	sadd.s32 s0, s3;
	s0 =	sld [smem:$0x3FAE]  }
0x30: {  	s3 =	sld [smem:$0x3FB1]  }
0x31: {  	[smem:$0x3FBA] =	sst s10  }
0x32: {  	s10 =	sld [smem:$0x3FB8];
	_ =	sdelay $0x3  }
0x33: {  	p0 =	seq.s32 s10, $0x1;
	s10 =	sld [smem:$0x3FBA];
	_ =	sdelay $0x3  }
0x34: {  	[smem:$0x3FBA] =	sst s10  }
0x35: {  	s10 =	sld [smem:$0x3FB9];
	_ =	sdelay $0x3  }
0x36: {  	p1 =	seq.s32 s10, $0x1;
	s10 =	sld [smem:$0x3FBA];
	_ =	sdelay $0x3  }
0x37: {  	[smem:$0x3FBA] =	sst s10  }
0x38: {  	s10 =	sld [smem:$0x3FBB]  }
0x39: {  	_ = 	snop;
	(pc) =	sbr.ind lr, $3  }
0x3a: {  	_ = 	snop  }
0x3b: {  	_ = 	snop  }
0x3c: {  	p2 =	seq.s32 s10, $0x1;
	s10 =	sld [smem:$0x3FBA]  }
0x3d: {  	_ =	shalt  }
0x3e: {  	_ =	shalt  }
0x3f: {  	_ =	shalt  }
0x40: {  	_ =	shalt  }
0x41: {  	_ =	shalt  }
0x42: {  	_ =	shalt  }
0x43: {  	_ =	shalt  }
0x44: {  	_ =	shalt  }
0x45: {  	_ =	shalt  }
0x46: {  	_ =	shalt  }
0x47: {  	_ =	shalt  }
0x48: {  	_ =	shalt  }
0x49: {  	_ =	shalt  }
0x4a: {  	_ =	shalt  }
0x4b: {  	_ =	shalt  }
0x4c: {  	_ =	shalt  }
0x4d: {  	_ =	shalt  }
0x4e: {  	_ =	shalt  }
0x4f: {  	_ =	shalt  }
0x50: {  	_ =	shalt  }
0x51: {  	_ =	shalt  }
0x52: {  	_ =	shalt  }
0x53: {  	_ =	shalt  }
0x54: {  	_ =	shalt  }
0x55: {  	_ =	shalt  }
0x56: {  	_ =	shalt  }
0x57: {  	_ =	shalt  }
0x58: {  	_ =	shalt  }
0x59: {  	_ =	shalt  }
0x5a: {  	_ =	shalt  }
0x5b: {  	_ =	shalt  }
0x5c: {  	_ =	shalt  }
0x5d: {  	_ =	shalt  }
0x5e: {  	_ =	shalt  }
0x5f: {  	_ =	shalt  }
0x60: {  	_ =	shalt  }
0x61: {  	_ =	shalt  }
0x62: {  	_ =	shalt  }
0x63: {  	_ =	shalt  }
0x64: {  	_ =	shalt  }
0x65: {  	_ =	shalt  }
0x66: {  	_ =	shalt  }
0x67: {  	_ =	shalt  }
0x68: {  	_ =	shalt  }
0x69: {  	_ =	shalt  }
0x6a: {  	_ =	shalt  }
0x6b: {  	_ =	shalt  }
0x6c: {  	_ =	shalt  }
0x6d: {  	_ =	shalt  }
0x6e: {  	_ =	shalt  }
0x6f: {  	_ =	shalt  }
0x70: {  	_ =	shalt  }
0x71: {  	_ =	shalt  }
0x72: {  	_ =	shalt  }
0x73: {  	_ =	shalt  }
0x74: {  	_ =	shalt  }
0x75: {  	_ =	shalt  }
0x76: {  	_ =	shalt  }
0x77: {  	_ =	shalt  }
0x78: {  	_ =	shalt  }
0x79: {  	_ =	shalt  }
0x7a: {  	_ =	shalt  }
0x7b: {  	_ =	shalt  }
0x7c: {  	_ =	shalt  }
0x7d: {  	_ =	shalt  }
0x7e: {  	_ =	shalt  }
0x7f: {  	_ =	shalt  }
0x80: {  	_ =	shalt  }
0x81: {  	_ =	shalt  }
0x82: {  	_ =	shalt  }
0x83: {  	_ =	shalt  }
0x84: {  	_ =	shalt  }
0x85: {  	_ =	shalt  }
0x86: {  	_ =	shalt  }
0x87: {  	_ =	shalt  }
.Lfunc_end0:
.L_simem_size_0:
called_computation.4_lowered:
.L_overlay_start_0:
0x88: {  	s2 =	sld [smem:$0x3FD9]  }
0x89: {  	s3 =	sld [smem:$0x3FFE];
	_ =	sdelay $0x1  }
0x8a: {  	s1 =	srdreg.scid  }
0x8b: {  	s0 =	sand.u32 $0x1, s1  }
0x8c: {  	s14 =	sshll.u32 s0, $0xA;
	s2 =	sadd.s32 s3, s2  }
0x8d: {  	s2 =	sadd.s32 s2, s14  }
0x8e: {  	[smem:$0x3FC6] =	sst s2  }
0x8f: {  	_ = 	snop  }
0x90: {  	s2 =	sld [smem:$0x3FD0];
	_ =	sdelay $0x2  }
0x91: {  	s15 =	simm.s32 $0xC;
	s4 =	simm.s32 $0x10  }
0x92: {  	[smem:s4], [sflag:s15] =	dma.local [hbm:s2], $0x1  }
0x93: {  	_ =	swait.eq [sflag:s15], $0x1  }
0x94: {  	[sflag:s15] =	ssyncset.done $0x0  }
0x95: {  	[sflag:s15] =	ssyncadd.s32 $0xFFFFFFFF  }
0x96: {  	s16 =	sld [smem:$0x10];
	(tm) =	ssettm $0x1  }
0x97: {  	s17 =	sld [smem:$0x3FFB];
	_ =	sdelay $0x3  }
0x98: {  	_ =	strace s17  }
0x99: {  	s3 =	sld [smem:$0x3FFC];
	_ =	sdelay $0x3  }
0x9a: {  	_ =	strace s3  }
0x9b: {  	s3 =	sld [smem:$0x3FFD];
	_ =	sdelay $0x3  }
0x9c: {  	_ =	strace s3  }
0x9d: {  	_ =	strace $0x8FFFFFFF  }
0x9e: {  	s18 =	sld [smem:$0x3FDB];
	_ =	sdelay $0x1  }
0x9f: {  	s19 =	simm.s32 $_scs_section_size  }
0xa0: {  	s5 =	simm.s32 $_size__tile_overlayer_lowered;
	s6 =	simm.s32 $_tile_overlayer_lowered  }
0xa1: {  	s22 =	simm.s32 $0x1BFF;
	s21 =	sshll.u32 s6, $0x1;
	s3 =	sadd.s32 s19, s18  }
0xa2: {  	s7 =	simm.s32 $0x0;
	s20 =	sshll.u32 s5, $0x1;
	s5 =	sadd.s32 s21, s3  }
0xa3: {  	[timem:s7], [sflag:s22] =	dma.local [hbm:s5], s20  }
0xa4: {  	_ =	swait.ge [sflag:s22], s20  }
0xa5: {  	s4 =	ssub.s32 $0x0, s20;
	[sflag:s22] =	ssyncset.done $0x0  }
0xa6: {  	[sflag:s22] =	ssyncadd.s32 s4;
	_ =	sdelay $0x1  }
0xa7: {  	s23 =	simm.s32 $0x1B8B  }
0xa8: {  	_ =	swait.ge [sflag:s23], $0x1  }
0xa9: {  	[sflag:s23] =	ssyncset.done $0x0  }
0xaa: {  	s25 =	simm.s32 $0x1B8E;
	s24 =	sld [smem:$0x3FFE];
	[sflag:s23] =	ssyncadd.s32 $0xFFFFFFFF  }
0xab: {  	s26 =	simm.s32 $execute0_lowered;
	[smem:$0x3FD2] =	sst s25  }
0xac: {  	s5 =	sshll.u32 s26, $0x1;
	_ =	strace $0x80000052;
	[dreg:$0x1] =	wrdreg $0xFFFFFFFF  }
0xad: {  	s28 =	simm.s32 $_size_execute0_lowered;
	s3 =	sadd.s32 s3, s5;
	[dreg:$0x0] =	wrdreg $0x0  }
0xae: {  	s5 =	sshll.u32 s28, $0x1;
	[dreg:$0x2] =	wrdreg s3  }
0xaf: {  	[dreg:$0x3] =	wrdreg s5  }
0xb0: {  	[dreg:$0x4] =	wrdreg $0xC0  }
0xb1: {  	_ =	task [dreg:s7], $0x5FFFF  }
0xb2: {  	[dreg:$0x1] =	wrdreg $0xFFFFFFFF  }
0xb3: {  	[dreg:$0x0] =	wrdreg $0x60  }
0xb4: {  	[dreg:$0x2] =	wrdreg s24  }
0xb5: {  	[dreg:$0x3] =	wrdreg s16  }
0xb6: {  	[dreg:$0x4] =	wrdreg $0x9  }
0xb7: {  	_ =	task.clear_ibuf [dreg:s7], $0x5FFFF;
	_ =	strace $0x90000052  }
0xb8: {  	s29 =	simm.s32 $0x9;
	_ =	strace $0x80000054  }
0xb9: {  	_ =	swait.ge [sflag:s29], $0x1  }
0xba: {  	[sflag:s29] =	ssyncadd.s32 $0xFFFFFFFF  }
0xbb: {  	_ =	strace $0x90000054  }
0xbc: {  	_ =	sfence  }
0xbd: {  	s30 =	sld [smem:$0x0];
	_ =	sdelay $0x2  }
0xbe: {  	s31 =	sshll.u32 s1, $0xD;
	s1 =	sshrl.u32 s1, $0x2  }
0xbf: {  	s3 =	sand.u32 $0x4000, s31;
	s1 =	sadd.s32 s1, s30  }
0xc0: {  	s0 =	sor.u32 s3, s0;
	s1 =	sshll.u32 s1, $0x11  }
0xc1: {  	s0 =	sor.u32 s1, s0  }
0xc2: {  	s0 =	sadd.s32 $0x8F2B, s0  }
0xc3: {  	[sflag:s0] =	ssyncadd.remote.s32 $0x1  }
0xc4: {  	_ =	sfence.sel $0xFFFF  }
0xc5: {  	[dreg:$0x0] =	wrdreg $0xFFFFFFFF;
	(pc) =	sbr.abs _section_cstart, $3  }
0xc6: {  	[dreg:$0x1] =	wrdreg $0xFFFFFFFF  }
0xc7: {  	_ =	task.clear_ibuf [dreg:s7], $0x2FFFF;
	_ =	strace $0x9FFFFFFF  }
0xc8: {  	(tm) =	ssettm $0x7FFFFFFF  }
0xc9: {  	_ =	shalt  }
tec
execute0_lowered:
.L_overlay_start_1:
0x0: {  	(tag) =	ssettag $0x1  }
0x1: {  	s0 =	srdreg.scid  }
0x2: {  	s1 =	sshll.u32 s0, $0x4  }
0x3: {  	s0 =	stileid.u32;
	s1 =	sand.u32 $0x10, s1  }
0x4: {  	s2 =	sor.u32 s0, s1  }
0x5: {  	s1 =	smin.u32 s2, $0x12  }
0x6: {  	s1 =	sadd.s32 s2, s1  }
0x7: {  	p0 =	slt.u32 s2, $0x12;
	s2 =	simm.s32 $0xA0;
	s1 =	smul.u32 $0x50, s1  }
0x8: {  	s2 =	simm.s32 @!p0 $0x50  }
0x9: {  	s2 =	sadd.s32 s2, s1  }
0xa: {  	s3 =	smin.u32 s2, $0xFA0  }
0xb: {  	s7 =	ssub.s32 s3, s1  }
0xc: {  	p0 =	sgt.s32 s7, $0x0  }
0xd: {  	s7 =	simm.s32 @!p0 $0x0  }
0xe: {  	s4 =	rddreg [dreg:$0x0];
	s31 =	smul.u32 $0xCCCD, s7  }
0xf: {  	s5 =	rddreg [dreg:$0x1]  }
0x10: {  	s6 =	simm.s32 $0x1;
	s10 =	simm.s32 $0x3;
	s8 =	sshrl.u32 s31, $0x16  }
0x11: {  	s13 =	simm.s32 $0x0;
	s12 =	simm.s32 $0x0;
	s9 =	smul.u32 $0x50, s8  }
.Ltmp0:
0x12: {  	s11 =	smov.u32 s1;
	s2 =	rddreg [dreg:$0x2];
	(pc) =	sbr.rel .LBB2_1-.Ltmp0, $4  }
0x13: {  	_ =	strace $0x80000053;
	p0 =	sne.s32 s7, s9;
	s9 =	simm.s32 $0x1  }
0x14: {  	[sflag:s6] =	ssyncpa.u1 $0x0;
	s7 =	simm.s32 $0x2;
	s9 =	simm.s32 @!p0 $0x0  }
0x15: {  	[sflag:s7] =	ssyncpa.u1 $0x0;
	p0 =	por $0x0, $0x0;
	s8 =	sadd.s32 s8, s9  }
0x16: {  	vm0 =	vmmov $0xff;
	vm1 =	vcmask $0x3F20;
	s9 =	sadd.s32 $0x50000, s4;
	[sflag:s10] =	ssyncpa.u1 $0x0;
	s10 =	sadd.s32 $0x1, s8  }
.LBB2_6:
0x17: {  	[hbm:s17] =	stream.linear.scatter [tilespmem:s14], [sflag:$0x3], $0x400, $0x38;
	[tilespmem:$0x50A0] =	vst v63  }
.LBB2_7:
0x18: {  	s13 =	sadd.s32 $0x50, s11  }
0x19: {  	s15 =	smov.u32 s1;
	p2 =	slt.s32 s13, s3  }
0x1a: {  	s15 =	smov.u32 @p2 s13;
	p2 =	sne.s32 s12, s10  }
.Ltmp1:
0x1b: {  	p1 =	slt.u32 s12, $0x2;
	(pc) =	sbr.rel @!p2 .LBB2_8-.Ltmp1, $4  }
0x1c: {  	s14 =	simm.s32 @!p1 $0x3  }
0x1d: {  	s16 =	sadd.s32 $0x1, s12;
	_ =	swait.ge @!p1 [sflag:s14], $0x2800  }
0x1e: {  	p0 =	por !p0, !p0;
	s13 =	smov.u32 s11;
	[sflag:s14] =	ssyncset.done @!p1 $0x0  }
0x1f: {  	s12 =	smov.u32 s16;
	s11 =	smov.u32 s15;
	[sflag:s14] =	ssyncadd.s32 @!p1 $0xFFFFD800  }
.LBB2_1:
0x20: {  	p1 =	sge.u32 s12, s8  }
0x21: {  	s14 =	sxor.u32 @!p1 $0xFFFFFFFF, s12  }
0x22: {  	s14 =	sand.u32 @!p1 $0x1, s14  }
0x23: {  	s14 =	smul.u32 @!p1 $0x140, s14  }
0x24: {  	s31 =	sadd.s32 $0xFFFFFFFF, s12;
	s15 =	sshrl.u32 @!p1 s11, $0x3  }
0x25: {  	s16 =	sand.u32 @!p1 $0x7, s11;
	s15 =	sadd.s32 @!p1 s5, s15;
	s14 =	sshrl.u32 @!p1 s14, $0x2  }
0x26: {  	[tilespmem:s14], [sflag:$0x2] =	stream.linear.gather @!p1 [hbm4b:s15+s16], $0x50, $0x38;
	[tilespmem:$0x50A0] =	vst v63  }
0x27: {  	p1 =	sge.u32 s31, s8  }
.Ltmp2:
0x28: {  	_ = 	snop;
	(pc) =	sbr.rel @p1 .LBB2_7-.Ltmp2, $1  }
0x29: {  	_ =	sdelay $0x3  }
0x2a: {  	s14 =	simm.s32 $0x1  }
0x2b: {  	s14 =	simm.s32 @!p0 $0x0  }
0x2c: {  	s15 =	smul.u32 $0x140, s14  }
0x2d: {  	_ =	swait.ge [sflag:s7], $0x50  }
0x2e: {  	[sflag:s7] =	ssyncset.done $0x0;
	s16 =	sshrl.u32 s15, $0x2  }
0x2f: {  	[sflag:s7] =	ssyncadd.s32 $0xFFFFFFB0;
	s15 =	sadd.s32 $0x0, s16  }
0x30: {  	v0 =	vld.msk [tilespmem:s15+$0x0 ss:$0x1], $0xffff;
	_ =	sdelay $0x4  }
0x31: {  	v1 =	vand.u32 $0x3, v0;
	v2 =	vshll.u32 v0, $0x5  }
0x32: {  	vm2 =	veq.s32 v0, $0x80000000;
	v0 =	vmul.u32 $0xA0000, v1;
	v1 =	vand.u32 $0xFFF80, v2  }
0x33: {  	v1 =	vsel vm2, $0xFFFFFF80, v1  }
0x34: {  	v0 =	vsel vm2, $0xFFF60000, v0;
	v2 =	vand.u32 $0xFFFFFC00, v1  }
0x35: {  	v1 =	vand.u32 $0x380, v1;
	v0 =	vadd.s32 v0, v2  }
0x36: {  	v0 =	vor.u32 v1, v0  }
0x37: {  	v0 =	vshrl.u32 v0, $0x3  }
0x38: {  	s14 =	smul.u32 $0xA000, s14;
	_ =	sdelay $0x1  }
0x39: {  	s14 =	sshrl.u32 s14, $0x2  }
0x3a: {  	s14 =	sor.u32 $0xA0, s14  }
0x3b: {  	[tilespmem:s14], [sflag:$0x1] =	stream.indirect_vreg.gather [hbm:s9], $0x80, v0, vm0, $0x38;
	[tilespmem:$0x50A0] =	vst v63  }
0x3c: {  	s17 =	sadd.s32 $0x10, s16;
	s15 =	sadd.s32 $0x400, s14  }
0x3d: {  	[tilespmem:s15], [sflag:$0x1] =	stream.indirect_vreg.gather [hbm:s9], $0x80, v0, vm1, $0x38;
	[tilespmem:$0x50A0] =	vst v63  }
0x3e: {  	s18 =	simm.s32 $0x80;
	v0 =	vld.msk [tilespmem:s17+$0x0 ss:$0x1], $0xffff;
	s17 =	smov.u32 s14  }
.LBB2_3:
0x3f: {  	p1 =	sne.s32 s18, $0x100;
	_ =	sdelay $0x4  }
0x40: {  	v1 =	vand.u32 $0x3, v0;
	v2 =	vshll.u32 v0, $0x5  }
0x41: {  	vm2 =	veq.s32 v0, $0x80000000;
	v0 =	vmul.u32 $0xA0000, v1;
	v1 =	vand.u32 $0xFFF80, v2  }
0x42: {  	v1 =	vsel vm2, $0xFFFFFF80, v1  }
0x43: {  	v0 =	vsel vm2, $0xFFF60000, v0;
	v2 =	vand.u32 $0xFFFFFC00, v1  }
0x44: {  	v1 =	vand.u32 $0x380, v1;
	v0 =	vadd.s32 v0, v2  }
0x45: {  	v0 =	vor.u32 v1, v0  }
0x46: {  	v0 =	vshrl.u32 v0, $0x3;
	_ =	sdelay $0x3  }
.Ltmp3:
0x47: {  	s19 =	sshra.s32 s18, $0x2;
	s17 =	sadd.s32 $0x800, s17;
	(pc) =	sbr.rel @p1 .LBB2_3-.Ltmp3, $4  }
0x48: {  	[tilespmem:s17], [sflag:$0x1] =	stream.indirect_vreg.gather [hbm:s9], $0x80, v0, vm0, $0x38;
	[tilespmem:$0x50A0] =	vst v63  }
0x49: {  	s19 =	sadd.s32 s19, s16;
	s20 =	sadd.s32 $0x400, s17  }
0x4a: {  	[tilespmem:s20], [sflag:$0x1] =	stream.indirect_vreg.gather [hbm:s9], $0x80, v0, vm1, $0x38;
	[tilespmem:$0x50A0] =	vst v63  }
0x4b: {  	s18 =	sadd.s32 $0x40, s18;
	v0 =	vld.msk [tilespmem:s19+$0x0 ss:$0x1], $0xffff  }
0x4c: {  	_ =	sdelay $0x3  }
0x4d: {  	v1 =	vand.u32 $0x3, v0;
	v2 =	vshll.u32 v0, $0x5  }
0x4e: {  	vm2 =	veq.s32 v0, $0x80000000;
	v61 =	vmul.u32 $0xA0000, v1;
	v62 =	vand.u32 $0xFFF80, v2  }
0x4f: {  	v1 =	vsel vm2, $0xFFFFFF80, v62  }
0x50: {  	v0 =	vsel vm2, $0xFFF60000, v61;
	v63 =	vand.u32 $0xFFFFFC00, v1  }
0x51: {  	v1 =	vand.u32 $0x380, v1;
	v0 =	vadd.s32 v0, v63  }
0x52: {  	v0 =	vor.u32 v1, v0  }
0x53: {  	v0 =	vshrl.u32 v0, $0x3;
	_ =	sdelay $0x3  }
0x54: {  	s16 =	sadd.s32 $0x800, s17  }
0x55: {  	[tilespmem:s16], [sflag:$0x1] =	stream.indirect_vreg.gather [hbm:s9], $0x80, v0, vm0, $0x38;
	[tilespmem:$0x50A0] =	vst v63  }
0x56: {  	s16 =	sadd.s32 $0x400, s16  }
0x57: {  	[tilespmem:s16], [sflag:$0x1] =	stream.indirect_vreg.gather [hbm:s9], $0x80, v0, vm1, $0x38;
	[tilespmem:$0x50A0] =	vst v63  }
0x58: {  	s13 =	sshll.u32 s13, $0x4;
	_ =	swait.ge [sflag:s6], $0x2800  }
0x59: {  	s13 =	sadd.s32 s13, s4;
	[sflag:s6] =	ssyncset.done $0x0  }
0x5a: {  	s17 =	sadd.s32 $0x0, s13;
	s16 =	simm.s32 $0x80;
	[sflag:s6] =	ssyncadd.s32 $0xFFFFD800  }
.LBB2_5:
0x5b: {  	[hbm:s17] =	stream.linear.scatter [tilespmem:s14], [sflag:$0x3], $0x400, $0x38;
	[tilespmem:$0x50A0] =	vst v63  }
0x5c: {  	s17 =	smov.u32 s16;
	s14 =	smov.u32 s15;
	p1 =	sne.s32 s16, $0x480  }
.Ltmp4:
0x5d: {  	s16 =	sadd.s32 $0x80, s16;
	(pc) =	sbr.rel @p1 .LBB2_5-.Ltmp4, $2  }
0x5e: {  	_ =	sdelay $0x2  }
0x5f: {  	s15 =	sadd.s32 $0x400, s15;
	s17 =	sadd.s32 s17, s13  }
.Ltmp5:
0x60: {  	_ = 	snop;
	(pc) =	sbr.rel .LBB2_6-.Ltmp5, $1  }
0x61: {  	_ =	sdelay $0x3  }
.LBB2_8:
0x62: {  	_ =	sfence.sel $0x180000  }
0x63: {  	s1 =	simm.s32 $0x2;
	[bflag:$0x0] =	sbarrier.arrive $0xFFFF  }
0x64: {  	s30 =	simm.s32 $0x3;
	[sflag:s1] =	ssyncpa.u1 $0x1  }
0x65: {  	s31 =	simm.s32 $0x1;
	[sflag:s30] =	ssyncpa.u1 $0x1  }
0x66: {  	[sflag:s31] =	ssyncpa.u1 $0x1  }
0x67: {  	p0 =	sne.s32 s0, $0x0;
	_ =	strace $0x90000053  }
0x68: {  	s0 =	sadd.s32 @!p0 $0x100000, s2;
	[bflag:$0x2] =	sbarrier.arrive $0xFFFF  }
0x69: {  	[sflag:s0] =	ssyncadd.tile.s32 @!p0 $0x1;
	_ =	shalt  }
.Lfunc_end2:
_tile_overlayer_lowered:
.L_overlay_start_2:
0x6a: {  	(tag) =	ssettag $0x2  }
0x6b: {  	s0 =	rddreg [dreg:$0x0];
	s2 =	stileid.u32  }
0x6c: {  	s1 =	rddreg [dreg:$0x1];
	p0 =	sne.s32 s2, $0x0  }
0x6d: {  	s3 =	rddreg [dreg:$0x2];
	[bflag:$0x3] =	sbarrier.arrive $0xFFFF;
	s2 =	simm.s32 @!p0 $0x1C01  }
0x6e: {  	[timem:s3], [sflag:s2] =	dma.local @!p0 [hbm:s0], s1  }
0x6f: {  	s0 =	simm.s32 @!p0 $0x1  }
0x70: {  	_ =	swait.ge @!p0 [sflag:s0], s1  }
0x71: {  	s1 =	ssub.s32 @!p0 $0x0, s1;
	[sflag:s0] =	ssyncset.done @!p0 $0x0  }
0x72: {  	[sflag:s0] =	ssyncadd.s32 @!p0 s1  }
0x73: {  	[bflag:$0x3] =	sbarrier.arrive $0xFFFF  }
0x74: {  	_ =	shalt  }

// kernel: gather_offload_async_start
scs
__scs_entry_jumppad:
0x0: {  	(pc) =	sbr.rel $0x88, $3  }
0x1: {  	(tag) =	ssettag $0x0;
	lr =	simm.s32 $0x1  }
0x2: {  	[smem:$0x3F9F] =	sst lr;
	_ =	strace $0xD0000000  }
0x3: {  	_ = 	snop  }
0x4: {  	_ = 	snop  }
0x5: {  	_ = 	snop  }
0x6: {  	_ = 	snop  }
0x7: {  	_ = 	snop  }
__scs_overlays_trampoline_lowered:
0x8: {  	[smem:$0x3FAE] =	sst s0  }
0x9: {  	[smem:$0x3FAF] =	sst s1  }
0xa: {  	[smem:$0x3FB0] =	sst s2  }
0xb: {  	[smem:$0x3FB1] =	sst s3  }
0xc: {  	[smem:$0x3FB2] =	sst s4  }
0xd: {  	[smem:$0x3FB3] =	sst s5  }
0xe: {  	[smem:$0x3FB4] =	sst s6  }
0xf: {  	[smem:$0x3FB5] =	sst s7  }
0x10: {  	[smem:$0x3FB6] =	sst s8  }
0x11: {  	[smem:$0x3FB7] =	sst s9;
	s0 =	simm.s32 @!p0 $0x0  }
0x12: {  	s1 =	sld [smem:$0x3F9D];
	s0 =	simm.s32 @p0 $0x1  }
0x13: {  	[smem:$0x3FB8] =	sst s0;
	s0 =	simm.s32 @!p1 $0x0  }
0x14: {  	s2 =	sld [smem:$0x3F9C];
	s0 =	simm.s32 @p1 $0x1  }
0x15: {  	[smem:$0x3FB9] =	sst s0;
	s0 =	simm.s32 @!p2 $0x0  }
0x16: {  	s3 =	sld [smem:$0x3FDB];
	s0 =	simm.s32 @p2 $0x1  }
0x17: {  	s4 =	simm.s32 $0x1BF5;
	[smem:$0x3FBB] =	sst s0  }
0x18: {  	s0 =	sld [smem:$0x3F9E];
	_ =	swait.ge [sflag:s4], $0x0  }
0x19: {  	s7 =	sld [smem:$0x3F9F]  }
0x1a: {  	s8 =	sadd.s32 $0xFFFFE003, lr  }
0x1b: {  	s9 =	sadd.s32 $0xFFFFFEF7, lr;
	s5 =	simm.s32 $0xFFFFFFFF;
	p2 =	slt.u32 s8, $0xFFFFF086  }
0x1c: {  	p1 =	slt.u32 s9, $0xF7A;
	s5 =	simm.s32 @!p2 $0x0  }
0x1d: {  	s5 =	simm.s32 @p1 $0x1;
	p0 =	seq.s32 s7, s2  }
0x1e: {  	s7 =	smul.u32 @!p0 $0xF7A, s2;
	p2 =	seq.s32 @!p0 s5, $0x0  }
0x1f: {  	s9 =	smul.u32 $0xF7A, s1;
	s8 =	simm.s32 @!p0 $0x1BF5;
	p2 =	por !p2, p0  }
0x20: {  	[sflag:s8] =	ssyncset.s32 @!p0 $0xFFFFF086;
	s6 =	sadd.s32 @!p0 s3, s7;
	s7 =	simm.s32 @!p0 $0x108  }
0x21: {  	s3 =	sadd.s32 s3, s9;
	s6 =	sadd.s32 @!p0 $0x88, s6;
	s7 =	simm.s32 @p2 $0x1082  }
0x22: {  	[simem:s7], [sflag:s8] =	dma.local @!p0 [hbm:s6], $0xF7A  }
0x23: {  	s9 =	sor.u32 $0xD0000000, s2;
	s6 =	simm.s32 $0x108;
	_ =	swait.ge @!p0 [sflag:s8], $0x0  }
0x24: {  	s3 =	sadd.s32 $0x88, s3;
	s6 =	simm.s32 @!p1 $0x1082;
	[sflag:s4] =	ssyncset.s32 $0xFFFFF086  }
0x25: {  	[simem:s6], [sflag:s4] =	dma.local [hbm:s3], $0xF7A  }
0x26: {  	[smem:$0x3F9F] =	sst s1;
	(tag) =	ssettag s2;
	_ =	strace s9  }
0x27: {  	s1 =	sld [smem:$0x3FAF]  }
0x28: {  	s2 =	sld [smem:$0x3FB0]  }
0x29: {  	s4 =	sld [smem:$0x3FB2]  }
0x2a: {  	p0 =	seq.s32 s5, $0x0;
	s5 =	sld [smem:$0x3FB3]  }
0x2b: {  	s6 =	sld [smem:$0x3FB4]  }
0x2c: {  	s7 =	sld [smem:$0x3FB5]  }
0x2d: {  	s3 =	simm.s32 $0x108;
	s8 =	sld [smem:$0x3FB6]  }
0x2e: {  	s3 =	simm.s32 @!p0 $0x1082;
	s9 =	sld [smem:$0x3FB7]  }
0x2f: {  	lr =	sadd.s32 s0, s3;
	s0 =	sld [smem:$0x3FAE]  }
0x30: {  	s3 =	sld [smem:$0x3FB1]  }
0x31: {  	[smem:$0x3FBA] =	sst s10  }
0x32: {  	s10 =	sld [smem:$0x3FB8];
	_ =	sdelay $0x3  }
0x33: {  	p0 =	seq.s32 s10, $0x1;
	s10 =	sld [smem:$0x3FBA];
	_ =	sdelay $0x3  }
0x34: {  	[smem:$0x3FBA] =	sst s10  }
0x35: {  	s10 =	sld [smem:$0x3FB9];
	_ =	sdelay $0x3  }
0x36: {  	p1 =	seq.s32 s10, $0x1;
	s10 =	sld [smem:$0x3FBA];
	_ =	sdelay $0x3  }
0x37: {  	[smem:$0x3FBA] =	sst s10  }
0x38: {  	s10 =	sld [smem:$0x3FBB]  }
0x39: {  	_ = 	snop;
	(pc) =	sbr.ind lr, $3  }
0x3a: {  	_ = 	snop  }
0x3b: {  	_ = 	snop  }
0x3c: {  	p2 =	seq.s32 s10, $0x1;
	s10 =	sld [smem:$0x3FBA]  }
0x3d: {  	_ =	shalt  }
0x3e: {  	_ =	shalt  }
0x3f: {  	_ =	shalt  }
0x40: {  	_ =	shalt  }
0x41: {  	_ =	shalt  }
0x42: {  	_ =	shalt  }
0x43: {  	_ =	shalt  }
0x44: {  	_ =	shalt  }
0x45: {  	_ =	shalt  }
0x46: {  	_ =	shalt  }
0x47: {  	_ =	shalt  }
0x48: {  	_ =	shalt  }
0x49: {  	_ =	shalt  }
0x4a: {  	_ =	shalt  }
0x4b: {  	_ =	shalt  }
0x4c: {  	_ =	shalt  }
0x4d: {  	_ =	shalt  }
0x4e: {  	_ =	shalt  }
0x4f: {  	_ =	shalt  }
0x50: {  	_ =	shalt  }
0x51: {  	_ =	shalt  }
0x52: {  	_ =	shalt  }
0x53: {  	_ =	shalt  }
0x54: {  	_ =	shalt  }
0x55: {  	_ =	shalt  }
0x56: {  	_ =	shalt  }
0x57: {  	_ =	shalt  }
0x58: {  	_ =	shalt  }
0x59: {  	_ =	shalt  }
0x5a: {  	_ =	shalt  }
0x5b: {  	_ =	shalt  }
0x5c: {  	_ =	shalt  }
0x5d: {  	_ =	shalt  }
0x5e: {  	_ =	shalt  }
0x5f: {  	_ =	shalt  }
0x60: {  	_ =	shalt  }
0x61: {  	_ =	shalt  }
0x62: {  	_ =	shalt  }
0x63: {  	_ =	shalt  }
0x64: {  	_ =	shalt  }
0x65: {  	_ =	shalt  }
0x66: {  	_ =	shalt  }
0x67: {  	_ =	shalt  }
0x68: {  	_ =	shalt  }
0x69: {  	_ =	shalt  }
0x6a: {  	_ =	shalt  }
0x6b: {  	_ =	shalt  }
0x6c: {  	_ =	shalt  }
0x6d: {  	_ =	shalt  }
0x6e: {  	_ =	shalt  }
0x6f: {  	_ =	shalt  }
0x70: {  	_ =	shalt  }
0x71: {  	_ =	shalt  }
0x72: {  	_ =	shalt  }
0x73: {  	_ =	shalt  }
0x74: {  	_ =	shalt  }
0x75: {  	_ =	shalt  }
0x76: {  	_ =	shalt  }
0x77: {  	_ =	shalt  }
0x78: {  	_ =	shalt  }
0x79: {  	_ =	shalt  }
0x7a: {  	_ =	shalt  }
0x7b: {  	_ =	shalt  }
0x7c: {  	_ =	shalt  }
0x7d: {  	_ =	shalt  }
0x7e: {  	_ =	shalt  }
0x7f: {  	_ =	shalt  }
0x80: {  	_ =	shalt  }
0x81: {  	_ =	shalt  }
0x82: {  	_ =	shalt  }
0x83: {  	_ =	shalt  }
0x84: {  	_ =	shalt  }
0x85: {  	_ =	shalt  }
0x86: {  	_ =	shalt  }
0x87: {  	_ =	shalt  }
.Lfunc_end0:
.L_simem_size_0:
called_computation_lowered:
.L_overlay_start_0:
0x88: {  	s2 =	sld [smem:$0x3FD9]  }
0x89: {  	s3 =	sld [smem:$0x3FFE];
	_ =	sdelay $0x1  }
0x8a: {  	s1 =	srdreg.scid  }
0x8b: {  	s0 =	sand.u32 $0x1, s1  }
0x8c: {  	s15 =	sshll.u32 s0, $0xA;
	s2 =	sadd.s32 s3, s2  }
0x8d: {  	s2 =	sadd.s32 s2, s15  }
0x8e: {  	[smem:$0x3FC6] =	sst s2  }
0x8f: {  	_ = 	snop  }
0x90: {  	s2 =	sld [smem:$0x3FD0];
	_ =	sdelay $0x2  }
0x91: {  	s16 =	simm.s32 $0xC;
	s4 =	simm.s32 $0x10  }
0x92: {  	[smem:s4], [sflag:s16] =	dma.local [hbm:s2], $0x1  }
0x93: {  	_ =	swait.eq [sflag:s16], $0x1  }
0x94: {  	[sflag:s16] =	ssyncset.done $0x0  }
0x95: {  	[sflag:s16] =	ssyncadd.s32 $0xFFFFFFFF  }
0x96: {  	s17 =	sld [smem:$0x11];
	(tm) =	ssettm $0x1  }
0x97: {  	s18 =	sld [smem:$0x3FFB];
	_ =	sdelay $0x3  }
0x98: {  	_ =	strace s18  }
0x99: {  	s2 =	sld [smem:$0x3FFC];
	_ =	sdelay $0x3  }
0x9a: {  	_ =	strace s2  }
0x9b: {  	s2 =	sld [smem:$0x3FFD];
	_ =	sdelay $0x3  }
0x9c: {  	_ =	strace s2  }
0x9d: {  	_ =	strace $0x8FFFFFFF  }
0x9e: {  	s19 =	sld [smem:$0x3FDB];
	_ =	sdelay $0x1  }
0x9f: {  	s20 =	simm.s32 $_scs_section_size  }
0xa0: {  	s5 =	simm.s32 $_size__tile_overlayer_lowered;
	s6 =	simm.s32 $_tile_overlayer_lowered  }
0xa1: {  	s7 =	simm.s32 $0x1BFF;
	s21 =	sshll.u32 s6, $0x1;
	s4 =	sadd.s32 s20, s19  }
0xa2: {  	s22 =	simm.s32 $0x0;
	s5 =	sshll.u32 s5, $0x1;
	s6 =	sadd.s32 s21, s4  }
0xa3: {  	[timem:s22], [sflag:s7] =	dma.local [hbm:s6], s5  }
0xa4: {  	_ =	swait.ge [sflag:s7], s5  }
0xa5: {  	s5 =	ssub.s32 $0x0, s5;
	[sflag:s7] =	ssyncset.done $0x0  }
0xa6: {  	[sflag:s7] =	ssyncadd.s32 s5;
	_ =	sdelay $0x1  }
0xa7: {  	s23 =	simm.s32 $0x1B8B  }
0xa8: {  	_ =	swait.ge [sflag:s23], $0x1  }
0xa9: {  	[sflag:s23] =	ssyncset.done $0x0  }
0xaa: {  	[sflag:s23] =	ssyncadd.s32 $0xFFFFFFFF  }
0xab: {  	s5 =	sld [smem:$0x0]  }
0xac: {  	s6 =	sand.u32 $0xFFFFFFFE, s1  }
0xad: {  	p0 =	sne.s32 s1, s6  }
0xae: {  	s6 =	sshll.u32 @p0 s6, $0xE  }
0xaf: {  	s6 =	sadd.s32 @p0 $0x11B8D, s6;
	s7 =	sshll.u32 @p0 s5, $0x11  }
0xb0: {  	s6 =	sor.u32 @p0 s7, s6  }
0xb1: {  	[sflag:s6] =	ssyncadd.remote.s32 @p0 $0x1;
	_ =	sdelay $0x1  }
0xb2: {  	s6 =	simm.s32 @p0 $0x1B8D  }
0xb3: {  	_ =	swait.eq @p0 [sflag:s6], $0x1  }
0xb4: {  	[sflag:s6] =	ssyncadd.s32 @p0 $0xFFFFFFFF  }
0xb5: {  	s7 =	sshll.u32 @!p0 s1, $0xE  }
0xb6: {  	s7 =	sor.u32 @!p0 $0x4000, s7;
	s6 =	simm.s32 @!p0 $0x1B8D  }
0xb7: {  	s5 =	sshll.u32 @!p0 s5, $0x11;
	s7 =	sadd.s32 @!p0 $0x11B8D, s7;
	_ =	swait.eq @!p0 [sflag:s6], $0x1  }
0xb8: {  	s5 =	sor.u32 @!p0 s5, s7;
	[sflag:s6] =	ssyncadd.s32 @!p0 $0xFFFFFFFF  }
0xb9: {  	s25 =	simm.s32 $0x1B8E;
	s24 =	sld [smem:$0x3FFE];
	[sflag:s5] =	ssyncadd.remote.s32 @!p0 $0x1  }
0xba: {  	s26 =	simm.s32 $execute0_lowered;
	[smem:$0x3FD2] =	sst s25  }
0xbb: {  	s6 =	sshll.u32 s26, $0x1;
	_ =	strace $0x8000004F;
	[dreg:$0x1] =	wrdreg $0xFFFFFFFF  }
0xbc: {  	s28 =	simm.s32 $_size_execute0_lowered;
	s4 =	sadd.s32 s4, s6;
	[dreg:$0x0] =	wrdreg $0x0  }
0xbd: {  	s6 =	sshll.u32 s28, $0x1;
	[dreg:$0x2] =	wrdreg s4  }
0xbe: {  	[dreg:$0x3] =	wrdreg s6  }
0xbf: {  	[dreg:$0x4] =	wrdreg $0xC0  }
0xc0: {  	_ =	task [dreg:s22], $0x5FFFF  }
0xc1: {  	[dreg:$0x1] =	wrdreg $0xFFFFFFFF  }
0xc2: {  	[dreg:$0x0] =	wrdreg $0x60  }
0xc3: {  	[dreg:$0x2] =	wrdreg s24  }
0xc4: {  	[dreg:$0x3] =	wrdreg s17  }
0xc5: {  	[dreg:$0x4] =	wrdreg $0xB  }
0xc6: {  	_ =	task.clear_ibuf [dreg:s22], $0x5FFFF;
	_ =	strace $0x9000004F  }
0xc7: {  	s29 =	simm.s32 $0xB;
	_ =	strace $0x80000051  }
0xc8: {  	_ =	swait.ge [sflag:s29], $0x1  }
0xc9: {  	[sflag:s29] =	ssyncadd.s32 $0xFFFFFFFF  }
0xca: {  	_ =	strace $0x90000051  }
0xcb: {  	_ =	sfence  }
0xcc: {  	s30 =	sld [smem:$0x0];
	_ =	sdelay $0x2  }
0xcd: {  	s31 =	sshll.u32 s1, $0xD;
	s1 =	sshrl.u32 s1, $0x2  }
0xce: {  	s4 =	sand.u32 $0x4000, s31;
	s1 =	sadd.s32 s1, s30  }
0xcf: {  	s0 =	sor.u32 s4, s0;
	s1 =	sshll.u32 s1, $0x11  }
0xd0: {  	s0 =	sor.u32 s1, s0  }
0xd1: {  	s0 =	sadd.s32 $0x8F2B, s0  }
0xd2: {  	[sflag:s0] =	ssyncadd.remote.s32 $0x1  }
0xd3: {  	_ =	sfence.sel $0xFFFF  }
0xd4: {  	[dreg:$0x0] =	wrdreg $0xFFFFFFFF;
	(pc) =	sbr.abs _section_cstart, $3  }
0xd5: {  	[dreg:$0x1] =	wrdreg $0xFFFFFFFF  }
0xd6: {  	_ =	task.clear_ibuf [dreg:s22], $0x2FFFF;
	_ =	strace $0x9FFFFFFF  }
0xd7: {  	(tm) =	ssettm $0x7FFFFFFF  }
tec
execute0_lowered:
.L_overlay_start_1:
0x0: {  	(tag) =	ssettag $0x1  }
0x1: {  	s0 =	srdreg.scid  }
0x2: {  	s1 =	sshll.u32 s0, $0x4  }
0x3: {  	s0 =	stileid.u32;
	s1 =	sand.u32 $0x10, s1  }
0x4: {  	s2 =	sor.u32 s0, s1  }
0x5: {  	s1 =	smin.u32 s2, $0x12  }
0x6: {  	s1 =	sadd.s32 s2, s1  }
0x7: {  	p0 =	slt.u32 s2, $0x12;
	s2 =	simm.s32 $0xA0;
	s1 =	smul.u32 $0x50, s1  }
0x8: {  	s2 =	simm.s32 @!p0 $0x50  }
0x9: {  	s2 =	sadd.s32 s2, s1  }
0xa: {  	s3 =	smin.u32 s2, $0xFA0  }
0xb: {  	s7 =	ssub.s32 s3, s1  }
0xc: {  	p0 =	sgt.s32 s7, $0x0  }
0xd: {  	s7 =	simm.s32 @!p0 $0x0  }
0xe: {  	s4 =	rddreg [dreg:$0x0];
	s31 =	smul.u32 $0xCCCD, s7  }
0xf: {  	s5 =	rddreg [dreg:$0x1]  }
0x10: {  	s6 =	simm.s32 $0x1;
	s10 =	simm.s32 $0x3;
	s8 =	sshrl.u32 s31, $0x16  }
0x11: {  	s13 =	simm.s32 $0x0;
	s12 =	simm.s32 $0x0;
	s9 =	smul.u32 $0x50, s8  }
.Ltmp0:
0x12: {  	s11 =	smov.u32 s1;
	s2 =	rddreg [dreg:$0x2];
	(pc) =	sbr.rel .LBB2_1-.Ltmp0, $4  }
0x13: {  	_ =	strace $0x80000050;
	p0 =	sne.s32 s7, s9;
	s9 =	simm.s32 $0x1  }
0x14: {  	[sflag:s6] =	ssyncpa.u1 $0x0;
	s7 =	simm.s32 $0x2;
	s9 =	simm.s32 @!p0 $0x0  }
0x15: {  	[sflag:s7] =	ssyncpa.u1 $0x0;
	p0 =	por $0x0, $0x0;
	s8 =	sadd.s32 s8, s9  }
0x16: {  	vm0 =	vmmov $0xff;
	vm1 =	vcmask $0x3F20;
	s9 =	sadd.s32 $0x127800, s4;
	[sflag:s10] =	ssyncpa.u1 $0x0;
	s10 =	sadd.s32 $0x1, s8  }
.LBB2_6:
0x17: {  	[hbm:s17] =	stream.linear.scatter [tilespmem:s14], [sflag:$0x3], $0x400, $0x38;
	[tilespmem:$0x50A0] =	vst v63  }
.LBB2_7:
0x18: {  	s13 =	sadd.s32 $0x50, s11  }
0x19: {  	s15 =	smov.u32 s1;
	p2 =	slt.s32 s13, s3  }
0x1a: {  	s15 =	smov.u32 @p2 s13;
	p2 =	sne.s32 s12, s10  }
.Ltmp1:
0x1b: {  	p1 =	slt.u32 s12, $0x2;
	(pc) =	sbr.rel @!p2 .LBB2_8-.Ltmp1, $4  }
0x1c: {  	s14 =	simm.s32 @!p1 $0x3  }
0x1d: {  	s16 =	sadd.s32 $0x1, s12;
	_ =	swait.ge @!p1 [sflag:s14], $0x2800  }
0x1e: {  	p0 =	por !p0, !p0;
	s13 =	smov.u32 s11;
	[sflag:s14] =	ssyncset.done @!p1 $0x0  }
0x1f: {  	s12 =	smov.u32 s16;
	s11 =	smov.u32 s15;
	[sflag:s14] =	ssyncadd.s32 @!p1 $0xFFFFD800  }
.LBB2_1:
0x20: {  	p1 =	sge.u32 s12, s8  }
0x21: {  	s14 =	sxor.u32 @!p1 $0xFFFFFFFF, s12  }
0x22: {  	s14 =	sand.u32 @!p1 $0x1, s14  }
0x23: {  	s14 =	smul.u32 @!p1 $0x140, s14  }
0x24: {  	s31 =	sadd.s32 $0xFFFFFFFF, s12;
	s15 =	sshrl.u32 @!p1 s11, $0x3  }
0x25: {  	s16 =	sand.u32 @!p1 $0x7, s11;
	s15 =	sadd.s32 @!p1 s5, s15;
	s14 =	sshrl.u32 @!p1 s14, $0x2  }
0x26: {  	[tilespmem:s14], [sflag:$0x2] =	stream.linear.gather @!p1 [hbm4b:s15+s16], $0x50, $0x38;
	[tilespmem:$0x50A0] =	vst v63  }
0x27: {  	p1 =	sge.u32 s31, s8  }
.Ltmp2:
0x28: {  	_ = 	snop;
	(pc) =	sbr.rel @p1 .LBB2_7-.Ltmp2, $1  }
0x29: {  	_ =	sdelay $0x3  }
0x2a: {  	s14 =	simm.s32 $0x1  }
0x2b: {  	s14 =	simm.s32 @!p0 $0x0  }
0x2c: {  	s15 =	smul.u32 $0x140, s14  }
0x2d: {  	_ =	swait.ge [sflag:s7], $0x50  }
0x2e: {  	[sflag:s7] =	ssyncset.done $0x0;
	s16 =	sshrl.u32 s15, $0x2  }
0x2f: {  	[sflag:s7] =	ssyncadd.s32 $0xFFFFFFB0;
	s15 =	sadd.s32 $0x0, s16  }
0x30: {  	v0 =	vld.msk [tilespmem:s15+$0x0 ss:$0x1], $0xffff;
	_ =	sdelay $0x4  }
0x31: {  	v1 =	vand.u32 $0x3, v0;
	v2 =	vshll.u32 v0, $0x5  }
0x32: {  	vm2 =	veq.s32 v0, $0x80000000;
	v0 =	vmul.u32 $0x600000, v1;
	v1 =	vand.u32 $0x7FFF80, v2  }
0x33: {  	v1 =	vsel vm2, $0xFFFFFF80, v1  }
0x34: {  	v0 =	vsel vm2, $0xFFA00000, v0;
	v2 =	vand.u32 $0xFFFFFC00, v1  }
0x35: {  	v1 =	vand.u32 $0x380, v1;
	v0 =	vadd.s32 v0, v2  }
0x36: {  	v0 =	vor.u32 v1, v0  }
0x37: {  	v0 =	vshrl.u32 v0, $0x3  }
0x38: {  	s14 =	smul.u32 $0xA000, s14;
	_ =	sdelay $0x1  }
0x39: {  	s14 =	sshrl.u32 s14, $0x2  }
0x3a: {  	s14 =	sor.u32 $0xA0, s14  }
0x3b: {  	[tilespmem:s14], [sflag:$0x1] =	stream.indirect_vreg.gather [hbm:s9], $0x80, v0, vm0, $0x38;
	[tilespmem:$0x50A0] =	vst v63  }
0x3c: {  	s17 =	sadd.s32 $0x10, s16;
	s15 =	sadd.s32 $0x400, s14  }
0x3d: {  	[tilespmem:s15], [sflag:$0x1] =	stream.indirect_vreg.gather [hbm:s9], $0x80, v0, vm1, $0x38;
	[tilespmem:$0x50A0] =	vst v63  }
0x3e: {  	s18 =	simm.s32 $0x80;
	v0 =	vld.msk [tilespmem:s17+$0x0 ss:$0x1], $0xffff;
	s17 =	smov.u32 s14  }
.LBB2_3:
0x3f: {  	p1 =	sne.s32 s18, $0x100;
	_ =	sdelay $0x4  }
0x40: {  	v1 =	vand.u32 $0x3, v0;
	v2 =	vshll.u32 v0, $0x5  }
0x41: {  	vm2 =	veq.s32 v0, $0x80000000;
	v0 =	vmul.u32 $0x600000, v1;
	v1 =	vand.u32 $0x7FFF80, v2  }
0x42: {  	v1 =	vsel vm2, $0xFFFFFF80, v1  }
0x43: {  	v0 =	vsel vm2, $0xFFA00000, v0;
	v2 =	vand.u32 $0xFFFFFC00, v1  }
0x44: {  	v1 =	vand.u32 $0x380, v1;
	v0 =	vadd.s32 v0, v2  }
0x45: {  	v0 =	vor.u32 v1, v0  }
0x46: {  	v0 =	vshrl.u32 v0, $0x3;
	_ =	sdelay $0x3  }
.Ltmp3:
0x47: {  	s19 =	sshra.s32 s18, $0x2;
	s17 =	sadd.s32 $0x800, s17;
	(pc) =	sbr.rel @p1 .LBB2_3-.Ltmp3, $4  }
0x48: {  	[tilespmem:s17], [sflag:$0x1] =	stream.indirect_vreg.gather [hbm:s9], $0x80, v0, vm0, $0x38;
	[tilespmem:$0x50A0] =	vst v63  }
0x49: {  	s19 =	sadd.s32 s19, s16;
	s20 =	sadd.s32 $0x400, s17  }
0x4a: {  	[tilespmem:s20], [sflag:$0x1] =	stream.indirect_vreg.gather [hbm:s9], $0x80, v0, vm1, $0x38;
	[tilespmem:$0x50A0] =	vst v63  }
0x4b: {  	s18 =	sadd.s32 $0x40, s18;
	v0 =	vld.msk [tilespmem:s19+$0x0 ss:$0x1], $0xffff  }
0x4c: {  	_ =	sdelay $0x3  }
0x4d: {  	v1 =	vand.u32 $0x3, v0;
	v2 =	vshll.u32 v0, $0x5  }
0x4e: {  	vm2 =	veq.s32 v0, $0x80000000;
	v61 =	vmul.u32 $0x600000, v1;
	v62 =	vand.u32 $0x7FFF80, v2  }
0x4f: {  	v1 =	vsel vm2, $0xFFFFFF80, v62  }
0x50: {  	v0 =	vsel vm2, $0xFFA00000, v61;
	v63 =	vand.u32 $0xFFFFFC00, v1  }
0x51: {  	v1 =	vand.u32 $0x380, v1;
	v0 =	vadd.s32 v0, v63  }
0x52: {  	v0 =	vor.u32 v1, v0  }
0x53: {  	v0 =	vshrl.u32 v0, $0x3;
	_ =	sdelay $0x3  }
0x54: {  	s16 =	sadd.s32 $0x800, s17  }
0x55: {  	[tilespmem:s16], [sflag:$0x1] =	stream.indirect_vreg.gather [hbm:s9], $0x80, v0, vm0, $0x38;
	[tilespmem:$0x50A0] =	vst v63  }
0x56: {  	s16 =	sadd.s32 $0x400, s16  }
0x57: {  	[tilespmem:s16], [sflag:$0x1] =	stream.indirect_vreg.gather [hbm:s9], $0x80, v0, vm1, $0x38;
	[tilespmem:$0x50A0] =	vst v63  }
0x58: {  	s13 =	sshll.u32 s13, $0x4;
	_ =	swait.ge [sflag:s6], $0x2800  }
0x59: {  	s13 =	sadd.s32 s13, s4;
	[sflag:s6] =	ssyncset.done $0x0  }
0x5a: {  	s17 =	sadd.s32 $0x0, s13;
	s16 =	simm.s32 $0x80;
	[sflag:s6] =	ssyncadd.s32 $0xFFFFD800  }
.LBB2_5:
0x5b: {  	[hbm:s17] =	stream.linear.scatter [tilespmem:s14], [sflag:$0x3], $0x400, $0x38;
	[tilespmem:$0x50A0] =	vst v63  }
0x5c: {  	s17 =	smov.u32 s16;
	s14 =	smov.u32 s15;
	p1 =	sne.s32 s16, $0x480  }
.Ltmp4:
0x5d: {  	s16 =	sadd.s32 $0x80, s16;
	(pc) =	sbr.rel @p1 .LBB2_5-.Ltmp4, $2  }
0x5e: {  	_ =	sdelay $0x2  }
0x5f: {  	s15 =	sadd.s32 $0x400, s15;
	s17 =	sadd.s32 s17, s13  }
.Ltmp5:
0x60: {  	_ = 	snop;
	(pc) =	sbr.rel .LBB2_6-.Ltmp5, $1  }
0x61: {  	_ =	sdelay $0x3  }
.LBB2_8:
0x62: {  	_ =	sfence.sel $0x180000  }
0x63: {  	s1 =	simm.s32 $0x2;
	[bflag:$0x0] =	sbarrier.arrive $0xFFFF  }
0x64: {  	s30 =	simm.s32 $0x3;
	[sflag:s1] =	ssyncpa.u1 $0x1  }
0x65: {  	s31 =	simm.s32 $0x1;
	[sflag:s30] =	ssyncpa.u1 $0x1  }
0x66: {  	[sflag:s31] =	ssyncpa.u1 $0x1  }
0x67: {  	p0 =	sne.s32 s0, $0x0;
	_ =	strace $0x90000050  }
0x68: {  	s0 =	sadd.s32 @!p0 $0x100000, s2;
	[bflag:$0x2] =	sbarrier.arrive $0xFFFF  }
0x69: {  	[sflag:s0] =	ssyncadd.tile.s32 @!p0 $0x1;
	_ =	shalt  }
.Lfunc_end2:
_tile_overlayer_lowered:
.L_overlay_start_2:
0x6a: {  	(tag) =	ssettag $0x2  }
0x6b: {  	s0 =	rddreg [dreg:$0x0];
	s2 =	stileid.u32  }
0x6c: {  	s1 =	rddreg [dreg:$0x1];
	p0 =	sne.s32 s2, $0x0  }
0x6d: {  	s3 =	rddreg [dreg:$0x2];
	[bflag:$0x3] =	sbarrier.arrive $0xFFFF;
	s2 =	simm.s32 @!p0 $0x1C01  }
0x6e: {  	[timem:s3], [sflag:s2] =	dma.local @!p0 [hbm:s0], s1  }
0x6f: {  	s0 =	simm.s32 @!p0 $0x1  }
0x70: {  	_ =	swait.ge @!p0 [sflag:s0], s1  }
0x71: {  	s1 =	ssub.s32 @!p0 $0x0, s1;
	[sflag:s0] =	ssyncset.done @!p0 $0x0  }
0x72: {  	[sflag:s0] =	ssyncadd.s32 @!p0 s1  }
0x73: {  	[bflag:$0x3] =	sbarrier.arrive $0xFFFF  }
0x74: {  	_ =	shalt  }

</sc_bundles>
